<compile_context>
chip_gen: v7x
topology: tpu7x:2x2x1
jax: 0.10.2.dev20260603
libtpu: 0.0.44.dev20260713+nightly
codegen_flags: <defaults>
</compile_context>

<pallas_src>
import functools

import jax
import jax.numpy as jnp
from jax import lax
from jax.experimental import pallas as pl
from jax.experimental.pallas import tpu as pltpu
from jax.experimental.pallas import tpu_sc as plsc

_B, _N = 64, 32768
_K = int(0.1 * _N)
_POS = _N - _K

_NC, _NS, _L = 2, 16, 16
_NW = _NC * _NS
_RPW = _B // _NW
_H12 = 4096
_H8 = 256


def _zero_hist(hist_ref, nbins):
    @plsc.parallel_loop(0, nbins // _L, unroll=8)
    def _(c):
        hist_ref[pl.ds(c * _L, _L)] = jnp.zeros((_L,), jnp.int32)


def _scan_hist(hist_ref, nbins, rank_splat):
    zero = jnp.zeros((_L,), jnp.int32)

    @plsc.parallel_loop(0, nbins // _L, unroll=4, carry=(zero, zero, zero))
    def res(c, carry):
        cum, ans, before = carry
        h = hist_ref[pl.ds(c * _L, _L)]
        cs = plsc.cumsum(h)
        tot = jnp.sum(h)
        csg = cs + cum
        lt = csg < rank_splat
        ans = ans + plsc.all_reduce_population_count(lt)
        before = jnp.maximum(before, jnp.where(lt, csg, 0))
        cum = cum + tot
        return cum, ans, before

    _, ans, before = res
    before = lax.broadcast(jnp.max(before), (_L,))
    return ans, before


def _row_threshold(rowbuf, ubuf, hist):
    INT_MIN = jnp.int32(-2147483648)
    ones = jnp.ones((_L,), jnp.int32)

    _zero_hist(hist, _H12)

    @plsc.parallel_loop(0, _N // _L, unroll=8)
    def p1_body(j):
        xv = rowbuf[pl.ds(j * _L, _L)]
        iv = plsc.bitcast(xv, jnp.int32)
        uv = iv ^ (lax.shift_right_arithmetic(iv, 31) | INT_MIN)
        ubuf[pl.ds(j * _L, _L)] = uv
        b = lax.shift_right_logical(uv, 20)
        plsc.addupdate_scatter(hist, [b], ones)

    pos_splat = jnp.full((_L,), jnp.int32(_POS))
    ans1, before1 = _scan_hist(hist, _H12, pos_splat)
    rank2 = pos_splat - before1

    _zero_hist(hist, _H12)

    @plsc.parallel_loop(0, _N // _L, unroll=8)
    def p2_body(j):
        uv = ubuf[pl.ds(j * _L, _L)]
        match = lax.shift_right_logical(uv, 20) == ans1
        b = lax.shift_right_logical(uv, 8) & jnp.int32(0xFFF)
        plsc.addupdate_scatter(hist, [b], ones, mask=match)

    ans2, before2 = _scan_hist(hist, _H12, rank2)
    rank3 = rank2 - before2

    _zero_hist(hist, _H8)
    top24 = (ans1 << 12) | ans2

    @plsc.parallel_loop(0, _N // _L, unroll=8)
    def p3_body(j):
        uv = ubuf[pl.ds(j * _L, _L)]
        match = lax.shift_right_logical(uv, 8) == top24
        b = uv & jnp.int32(0xFF)
        plsc.addupdate_scatter(hist, [b], ones, mask=match)

    ans3, _ = _scan_hist(hist, _H8, rank3)

    u_thr = (ans1 << 20) | (ans2 << 8) | ans3
    i_thr = jnp.where(u_thr < 0, u_thr ^ INT_MIN, ~u_thr)
    return plsc.bitcast(i_thr, jnp.float32)


def _mask_row(rowbuf, thr):
    @plsc.parallel_loop(0, _N // _L, unroll=8)
    def mk_body(j):
        xv = rowbuf[pl.ds(j * _L, _L)]
        rowbuf[pl.ds(j * _L, _L)] = jnp.where(xv > thr, xv, jnp.float32(0.0))


def _sc_body(x_hbm, out_hbm, rowbuf0, rowbuf1, ubuf, hist,
             sin0, sin1, sout0, sout1):
    wid = lax.axis_index("s") * _NC + lax.axis_index("c")
    row0 = wid * _RPW
    row1 = row0 + 1

    c_in0 = pltpu.async_copy(x_hbm.at[row0], rowbuf0, sin0)
    c_in1 = pltpu.async_copy(x_hbm.at[row1], rowbuf1, sin1)

    c_in0.wait()
    thr0 = _row_threshold(rowbuf0, ubuf, hist)
    _mask_row(rowbuf0, thr0)
    c_out0 = pltpu.async_copy(rowbuf0, out_hbm.at[row0], sout0)

    c_in1.wait()
    thr1 = _row_threshold(rowbuf1, ubuf, hist)
    _mask_row(rowbuf1, thr1)
    c_out1 = pltpu.async_copy(rowbuf1, out_hbm.at[row1], sout1)

    c_out0.wait()
    c_out1.wait()


def _make_sc_kernel():
    mesh = plsc.VectorSubcoreMesh(core_axis_name="c", subcore_axis_name="s")
    return functools.partial(
        pl.kernel,
        out_type=jax.ShapeDtypeStruct((_B, _N), jnp.float32),
        mesh=mesh,
        compiler_params=pltpu.CompilerParams(needs_layout_passes=False),
        scratch_types=[
            pltpu.VMEM((_N,), jnp.float32),
            pltpu.VMEM((_N,), jnp.float32),
            pltpu.VMEM((_N,), jnp.int32),
            pltpu.VMEM((_H12,), jnp.int32),
            pltpu.SemaphoreType.DMA,
            pltpu.SemaphoreType.DMA,
            pltpu.SemaphoreType.DMA,
            pltpu.SemaphoreType.DMA,
        ],
    )(_sc_body)


_sc_kwinners = _make_sc_kernel()


@jax.jit
def kernel(x):
    return _sc_kwinners(x)

# --- scband reference (transcript-rebuilt; emitter-appended) ---
"""Pipeline reference for scband-kwinners-88347477278889 (READ-ONLY COPY).

The authoritative reference and input builder live on the scoring server;
editing this copy changes nothing except your own understanding.
"""

import jax, jax.numpy as jnp
import numpy as np

K_PERC = 0.1
USE_ABSOLUTE = False


def setup_inputs(seed: int = 0) -> dict:
    key = jax.random.key(seed)
    x = jax.random.normal(key, (64, 32768), dtype=jnp.float32)
    return {"x": x}


def reference(x):
    # KWinners forward in eval mode (training=False, use_boosting=False,
    # duty-cycle update is a no-op for the output).
    units_shape = x.shape[1:]
    num_units = int(np.prod(units_shape))
    k = int(K_PERC * num_units)
    tx = jax.lax.stop_gradient(x)
    if USE_ABSOLUTE:
        tx = jnp.abs(tx)
    # torch.kthvalue(flatten_x, pos) with pos = num_units - k (1-indexed kth smallest)
    flat = tx.reshape(tx.shape[0], -1)
    pos = num_units - k  # 1-indexed
    sorted_flat = jnp.sort(flat, axis=-1)
    threshold = sorted_flat[:, pos - 1]
    expanded_shape = (x.shape[0],) + (1,) * (x.ndim - 1)
    threshold = threshold.reshape(expanded_shape)
    mask = (tx > threshold).astype(jnp.float32)
    return x * mask

if __name__ == "__main__":
    import jax
    _d = setup_inputs()
    print(jax.jit(kernel)(*tuple(_d.values())))

</pallas_src>

<mosaic_0001>
#map = affine_map<(d0, d1) -> (0, 0)>
module attributes {stable_mosaic.version = 14 : i64} {
  func.func @_sc_body(%arg0: i32, %arg1: i32, %arg2: memref<64x32768xf32, #tpu.memory_space<hbm>>, %arg3: memref<64x32768xf32, #tpu.memory_space<hbm>>, %arg4: memref<32768xf32, #tpu.memory_space<vmem>>, %arg5: memref<32768xf32, #tpu.memory_space<vmem>>, %arg6: memref<32768xi32, #tpu.memory_space<vmem>>, %arg7: memref<4096xi32, #tpu.memory_space<vmem>>, %arg8: memref<!tpu.dma_semaphore, #tpu.memory_space<semaphore_mem>>, %arg9: memref<!tpu.dma_semaphore, #tpu.memory_space<semaphore_mem>>, %arg10: memref<!tpu.dma_semaphore, #tpu.memory_space<semaphore_mem>>, %arg11: memref<!tpu.dma_semaphore, #tpu.memory_space<semaphore_mem>>) attributes {dimension_semantics = [#tpu.dimension_semantics<core_parallel>, #tpu.dimension_semantics<subcore_parallel>], iteration_bounds = array<i64: 2, 16>, scalar_prefetch = 0 : i64, scratch_operands = 8 : i64, tpu.core_type = #tpu.core_type<sc_vector_subcore>, window_params = [{transform_indices = #map}, {transform_indices = #map}]} {
    %mul3A = arith.constant 2 : i32
    %mul3A_0 = arith.muli %arg1, %mul3A : i32
    %add3A = arith.addi %mul3A_0, %arg0 : i32
    %mul3A_1 = arith.constant 2 : i32
    %mul3A_2 = arith.muli %add3A, %mul3A_1 : i32
    %add3A_3 = arith.constant 1 : i32
    %add3A_4 = arith.addi %mul3A_2, %add3A_3 : i32
    %dma_start3A = arith.constant 0 : i32
    %dma_start3A_5 = tpu.memref_slice %arg2[%mul3A_2, %dma_start3A] : memref<64x32768xf32, #tpu.memory_space<hbm>> -> memref<1x32768xf32, #tpu.memory_space<hbm>>
    %dma_start3A_6 = tpu.memref_squeeze %dma_start3A_5 : memref<1x32768xf32, #tpu.memory_space<hbm>> -> memref<32768xf32, #tpu.memory_space<hbm>>
    %dma_start3A_7 = arith.constant 0 : i32
    %dma_start3A_8 = tpu.memref_slice %arg2[%mul3A_2, %dma_start3A_7] : memref<64x32768xf32, #tpu.memory_space<hbm>> -> memref<1x32768xf32, #tpu.memory_space<hbm>>
    %dma_start3A_9 = tpu.memref_squeeze %dma_start3A_8 : memref<1x32768xf32, #tpu.memory_space<hbm>> -> memref<32768xf32, #tpu.memory_space<hbm>>
    tpu.enqueue_dma source(%dma_start3A_9 : memref<32768xf32, #tpu.memory_space<hbm>>) target(%arg4 : memref<32768xf32, #tpu.memory_space<vmem>>) target_semaphore(%arg8 : memref<!tpu.dma_semaphore, #tpu.memory_space<semaphore_mem>>)
    %dma_start3A_10 = arith.constant 0 : i32
    %dma_start3A_11 = tpu.memref_slice %arg2[%add3A_4, %dma_start3A_10] : memref<64x32768xf32, #tpu.memory_space<hbm>> -> memref<1x32768xf32, #tpu.memory_space<hbm>>
    %dma_start3A_12 = tpu.memref_squeeze %dma_start3A_11 : memref<1x32768xf32, #tpu.memory_space<hbm>> -> memref<32768xf32, #tpu.memory_space<hbm>>
    %dma_start3A_13 = arith.constant 0 : i32
    %dma_start3A_14 = tpu.memref_slice %arg2[%add3A_4, %dma_start3A_13] : memref<64x32768xf32, #tpu.memory_space<hbm>> -> memref<1x32768xf32, #tpu.memory_space<hbm>>
    %dma_start3A_15 = tpu.memref_squeeze %dma_start3A_14 : memref<1x32768xf32, #tpu.memory_space<hbm>> -> memref<32768xf32, #tpu.memory_space<hbm>>
    tpu.enqueue_dma source(%dma_start3A_15 : memref<32768xf32, #tpu.memory_space<hbm>>) target(%arg5 : memref<32768xf32, #tpu.memory_space<vmem>>) target_semaphore(%arg9 : memref<!tpu.dma_semaphore, #tpu.memory_space<semaphore_mem>>)
    %dma_wait3A = arith.constant 0 : i32
    %dma_wait3A_16 = tpu.memref_slice %arg2[%mul3A_2, %dma_wait3A] : memref<64x32768xf32, #tpu.memory_space<hbm>> -> memref<1x32768xf32, #tpu.memory_space<hbm>>
    %dma_wait3A_17 = tpu.memref_squeeze %dma_wait3A_16 : memref<1x32768xf32, #tpu.memory_space<hbm>> -> memref<32768xf32, #tpu.memory_space<hbm>>
    %dma_wait3A_18 = arith.constant 0 : i32
    %dma_wait3A_19 = tpu.memref_slice %arg2[%mul3A_2, %dma_wait3A_18] : memref<64x32768xf32, #tpu.memory_space<hbm>> -> memref<1x32768xf32, #tpu.memory_space<hbm>>
    %dma_wait3A_20 = tpu.memref_squeeze %dma_wait3A_19 : memref<1x32768xf32, #tpu.memory_space<hbm>> -> memref<32768xf32, #tpu.memory_space<hbm>>
    tpu.wait_dma2 semaphore(%arg8 : memref<!tpu.dma_semaphore, #tpu.memory_space<semaphore_mem>>) src(%dma_wait3A_20 : memref<32768xf32, #tpu.memory_space<hbm>>) dst(%arg4 : memref<32768xf32, #tpu.memory_space<vmem>>)
    %broadcast_in_dim3A = arith.constant 1 : i32
    %broadcast_in_dim3A_21 = vector.broadcast %broadcast_in_dim3A : i32 to vector<16xi32>
    %parallel_loop3A = arith.constant 0 : i32
    %parallel_loop3A_22 = arith.constant 256 : i32
    %parallel_loop3A_23 = arith.constant 1 : i32
    scf.for %parallel_loop3A_230 = %parallel_loop3A to %parallel_loop3A_22 step %parallel_loop3A_23  : i32 {
      %parallel_loop3A_231 = arith.constant 0 : i32
      %parallel_loop3A_232 = vector.broadcast %parallel_loop3A_231 : i32 to vector<16xi32>
      %parallel_loop3A_233 = arith.constant 16 : i32
      %parallel_loop3A_234 = arith.muli %parallel_loop3A_230, %parallel_loop3A_233 : i32
      %parallel_loop3A_235 = arith.index_cast %parallel_loop3A_234 : i32 to index
      %parallel_loop3A_236 = tpu.vector_load %arg7[%parallel_loop3A_235] {strides = array<i32>} : memref<4096xi32, #tpu.memory_space<vmem>>, vector<16xi32>,
      tpu.vector_store %arg7[%parallel_loop3A_235], %parallel_loop3A_232 {strides = array<i32>} : memref<4096xi32, #tpu.memory_space<vmem>>, vector<16xi32>,
    } {sc.loop_unroll_factor = 8 : i64, sc.parallel_access}
    %parallel_loop3A_24 = arith.constant 0 : i32
    %parallel_loop3A_25 = arith.constant 2048 : i32
    %parallel_loop3A_26 = arith.constant 1 : i32
    %parallel_loop3A_27 = arith.constant -2147483648 : i32
    scf.for %parallel_loop3A_230 = %parallel_loop3A_24 to %parallel_loop3A_25 step %parallel_loop3A_26  : i32 {
      %parallel_loop3A_231 = arith.constant 16 : i32
      %parallel_loop3A_232 = arith.muli %parallel_loop3A_230, %parallel_loop3A_231 : i32
      %parallel_loop3A_233 = arith.index_cast %parallel_loop3A_232 : i32 to index
      %parallel_loop3A_234 = tpu.vector_load %arg4[%parallel_loop3A_233] {strides = array<i32>} : memref<32768xf32, #tpu.memory_space<vmem>>, vector<16xf32>,
      %parallel_loop3A_235 = vector.bitcast %parallel_loop3A_234 : vector<16xf32> to vector<16xi32>
      %parallel_loop3A_236 = arith.constant 31 : i32
      %parallel_loop3A_237 = vector.broadcast %parallel_loop3A_236 : i32 to vector<16xi32>
      %parallel_loop3A_238 = arith.shrsi %parallel_loop3A_235, %parallel_loop3A_237 : vector<16xi32>
      %parallel_loop3A_239 = vector.broadcast %parallel_loop3A_27 : i32 to vector<16xi32>
      %parallel_loop3A_240 = arith.ori %parallel_loop3A_238, %parallel_loop3A_239 : vector<16xi32>
      %parallel_loop3A_241 = arith.xori %parallel_loop3A_235, %parallel_loop3A_240 : vector<16xi32>
      %parallel_loop3A_242 = arith.constant 16 : i32
      %parallel_loop3A_243 = arith.muli %parallel_loop3A_230, %parallel_loop3A_242 : i32
      %parallel_loop3A_244 = arith.index_cast %parallel_loop3A_243 : i32 to index
      %parallel_loop3A_245 = tpu.vector_load %arg6[%parallel_loop3A_244] {strides = array<i32>} : memref<32768xi32, #tpu.memory_space<vmem>>, vector<16xi32>,
      tpu.vector_store %arg6[%parallel_loop3A_244], %parallel_loop3A_241 {strides = array<i32>} : memref<32768xi32, #tpu.memory_space<vmem>>, vector<16xi32>,
      %parallel_loop3A_246 = arith.constant 20 : i32
      %parallel_loop3A_247 = vector.broadcast %parallel_loop3A_246 : i32 to vector<16xi32>
      %parallel_loop3A_248 = arith.shrui %parallel_loop3A_241, %parallel_loop3A_247 : vector<16xi32>
      tpu.vector_store_idx %arg7[%parallel_loop3A_248], %broadcast_in_dim3A_21 {add = true} : memref<4096xi32, #tpu.memory_space<vmem>>[vector<16xi32>], vector<16xi32>,
    } {sc.loop_unroll_factor = 8 : i64, sc.parallel_access}
    %broadcast_in_dim3A_28 = arith.constant 29492 : i32
    %broadcast_in_dim3A_29 = vector.broadcast %broadcast_in_dim3A_28 : i32 to vector<16xi32>
    %broadcast_in_dim3A_30 = arith.constant 0 : i32
    %broadcast_in_dim3A_31 = vector.broadcast %broadcast_in_dim3A_30 : i32 to vector<16xi32>
    %parallel_loop3A_32 = arith.constant 0 : i32
    %parallel_loop3A_33 = arith.constant 256 : i32
    %parallel_loop3A_34 = arith.constant 1 : i32
    %parallel_loop3A_35:3 = scf.for %parallel_loop3A_230 = %parallel_loop3A_32 to %parallel_loop3A_33 step %parallel_loop3A_34 iter_args(%parallel_loop3A_231 = %broadcast_in_dim3A_31, %parallel_loop3A_232 = %broadcast_in_dim3A_31, %parallel_loop3A_233 = %broadcast_in_dim3A_31) -> (vector<16xi32>, vector<16xi32>, vector<16xi32>)  : i32 {
      %parallel_loop3A_234 = arith.constant 16 : i32
      %parallel_loop3A_235 = arith.muli %parallel_loop3A_230, %parallel_loop3A_234 : i32
      %parallel_loop3A_236 = arith.index_cast %parallel_loop3A_235 : i32 to index
      %parallel_loop3A_237 = tpu.vector_load %arg7[%parallel_loop3A_236] {strides = array<i32>} : memref<4096xi32, #tpu.memory_space<vmem>>, vector<16xi32>,
      %parallel_loop3A_238 = arith.constant true
      %parallel_loop3A_239 = vector.broadcast %parallel_loop3A_238 : i1 to vector<16xi1>
      %parallel_loop3A_240 = tpu.scan <sum>, %parallel_loop3A_237 masked %parallel_loop3A_239 : vector<16xi32>, vector<16xi1> -> vector<16xi32>
      %parallel_loop3A_241 = arith.constant true
      %parallel_loop3A_242 = vector.broadcast %parallel_loop3A_241 : i1 to vector<16xi1>
      %parallel_loop3A_243 = tpu.scan <sum>, %parallel_loop3A_237 masked %parallel_loop3A_242 : vector<16xi32>, vector<16xi1> -> vector<16xi32>
      %parallel_loop3A_244 = vector.extract %parallel_loop3A_243[15] : i32 from vector<16xi32>
      %parallel_loop3A_245 = arith.addi %parallel_loop3A_240, %parallel_loop3A_231 : vector<16xi32>
      %parallel_loop3A_246 = arith.cmpi slt, %parallel_loop3A_245, %broadcast_in_dim3A_29 : vector<16xi32>
      %parallel_loop3A_247 = tpu.all_reduce %parallel_loop3A_246 {dim = 0 : i64, kind = #tpu.reduction_kind<sum>} : vector<16xi1> -> vector<16xi32>
      %parallel_loop3A_248 = arith.addi %parallel_loop3A_232, %parallel_loop3A_247 : vector<16xi32>
      %parallel_loop3A_249 = arith.constant 0 : i32
      %parallel_loop3A_250 = vector.broadcast %parallel_loop3A_249 : i32 to vector<16xi32>
      %parallel_loop3A_251 = arith.select %parallel_loop3A_246, %parallel_loop3A_245, %parallel_loop3A_250 : vector<16xi1>, vector<16xi32>
      %parallel_loop3A_252 = arith.maxsi %parallel_loop3A_233, %parallel_loop3A_251 : vector<16xi32>
      %parallel_loop3A_253 = vector.broadcast %parallel_loop3A_244 : i32 to vector<16xi32>
      %parallel_loop3A_254 = arith.addi %parallel_loop3A_231, %parallel_loop3A_253 : vector<16xi32>
      scf.yield %parallel_loop3A_254, %parallel_loop3A_248, %parallel_loop3A_252 : vector<16xi32>, vector<16xi32>, vector<16xi32>
    } {sc.loop_unroll_factor = 4 : i64, sc.parallel_access}
    %reduce_max3A = arith.constant true
    %reduce_max3A_36 = vector.broadcast %reduce_max3A : i1 to vector<16xi1>
    %reduce_max3A_37 = arith.constant -2147483648 : i32
    %reduce_max3A_38 = vector.broadcast %reduce_max3A_37 : i32 to vector<16xi32>
    %reduce_max3A_39 = arith.xori %parallel_loop3A_35#2, %reduce_max3A_38 : vector<16xi32>
    %reduce_max3A_40 = tpu.scan <max>, %reduce_max3A_39 masked %reduce_max3A_36 : vector<16xi32>, vector<16xi1> -> vector<16xi32>
    %reduce_max3A_41 = arith.xori %reduce_max3A_40, %reduce_max3A_38 : vector<16xi32>
    %reduce_max3A_42 = vector.extract %reduce_max3A_41[15] : i32 from vector<16xi32>
    %broadcast_in_dim3A_43 = vector.broadcast %reduce_max3A_42 : i32 to vector<16xi32>
    %sub3A = arith.subi %broadcast_in_dim3A_29, %broadcast_in_dim3A_43 : vector<16xi32>
    %parallel_loop3A_44 = arith.constant 0 : i32
    %parallel_loop3A_45 = arith.constant 256 : i32
    %parallel_loop3A_46 = arith.constant 1 : i32
    scf.for %parallel_loop3A_230 = %parallel_loop3A_44 to %parallel_loop3A_45 step %parallel_loop3A_46  : i32 {
      %parallel_loop3A_231 = arith.constant 0 : i32
      %parallel_loop3A_232 = vector.broadcast %parallel_loop3A_231 : i32 to vector<16xi32>
      %parallel_loop3A_233 = arith.constant 16 : i32
      %parallel_loop3A_234 = arith.muli %parallel_loop3A_230, %parallel_loop3A_233 : i32
      %parallel_loop3A_235 = arith.index_cast %parallel_loop3A_234 : i32 to index
      %parallel_loop3A_236 = tpu.vector_load %arg7[%parallel_loop3A_235] {strides = array<i32>} : memref<4096xi32, #tpu.memory_space<vmem>>, vector<16xi32>,
      tpu.vector_store %arg7[%parallel_loop3A_235], %parallel_loop3A_232 {strides = array<i32>} : memref<4096xi32, #tpu.memory_space<vmem>>, vector<16xi32>,
    } {sc.loop_unroll_factor = 8 : i64, sc.parallel_access}
    %parallel_loop3A_47 = arith.constant 0 : i32
    %parallel_loop3A_48 = arith.constant 2048 : i32
    %parallel_loop3A_49 = arith.constant 1 : i32
    scf.for %parallel_loop3A_230 = %parallel_loop3A_47 to %parallel_loop3A_48 step %parallel_loop3A_49  : i32 {
      %parallel_loop3A_231 = arith.constant 16 : i32
      %parallel_loop3A_232 = arith.muli %parallel_loop3A_230, %parallel_loop3A_231 : i32
      %parallel_loop3A_233 = arith.index_cast %parallel_loop3A_232 : i32 to index
      %parallel_loop3A_234 = tpu.vector_load %arg6[%parallel_loop3A_233] {strides = array<i32>} : memref<32768xi32, #tpu.memory_space<vmem>>, vector<16xi32>,
      %parallel_loop3A_235 = arith.constant 20 : i32
      %parallel_loop3A_236 = vector.broadcast %parallel_loop3A_235 : i32 to vector<16xi32>
      %parallel_loop3A_237 = arith.shrui %parallel_loop3A_234, %parallel_loop3A_236 : vector<16xi32>
      %parallel_loop3A_238 = arith.cmpi eq, %parallel_loop3A_237, %parallel_loop3A_35#1 : vector<16xi32>
      %parallel_loop3A_239 = arith.constant 8 : i32
      %parallel_loop3A_240 = vector.broadcast %parallel_loop3A_239 : i32 to vector<16xi32>
      %parallel_loop3A_241 = arith.shrui %parallel_loop3A_234, %parallel_loop3A_240 : vector<16xi32>
      %parallel_loop3A_242 = arith.constant 4095 : i32
      %parallel_loop3A_243 = vector.broadcast %parallel_loop3A_242 : i32 to vector<16xi32>
      %parallel_loop3A_244 = arith.andi %parallel_loop3A_241, %parallel_loop3A_243 : vector<16xi32>
      tpu.vector_store_idx %arg7[%parallel_loop3A_244], %broadcast_in_dim3A_21 masked %parallel_loop3A_238 {add = true} : memref<4096xi32, #tpu.memory_space<vmem>>[vector<16xi32>], vector<16xi32>, vector<16xi1>
    } {sc.loop_unroll_factor = 8 : i64, sc.parallel_access}
    %broadcast_in_dim3A_50 = arith.constant 0 : i32
    %broadcast_in_dim3A_51 = vector.broadcast %broadcast_in_dim3A_50 : i32 to vector<16xi32>
    %parallel_loop3A_52 = arith.constant 0 : i32
    %parallel_loop3A_53 = arith.constant 256 : i32
    %parallel_loop3A_54 = arith.constant 1 : i32
    %parallel_loop3A_55:3 = scf.for %parallel_loop3A_230 = %parallel_loop3A_52 to %parallel_loop3A_53 step %parallel_loop3A_54 iter_args(%parallel_loop3A_231 = %broadcast_in_dim3A_51, %parallel_loop3A_232 = %broadcast_in_dim3A_51, %parallel_loop3A_233 = %broadcast_in_dim3A_51) -> (vector<16xi32>, vector<16xi32>, vector<16xi32>)  : i32 {
      %parallel_loop3A_234 = arith.constant 16 : i32
      %parallel_loop3A_235 = arith.muli %parallel_loop3A_230, %parallel_loop3A_234 : i32
      %parallel_loop3A_236 = arith.index_cast %parallel_loop3A_235 : i32 to index
      %parallel_loop3A_237 = tpu.vector_load %arg7[%parallel_loop3A_236] {strides = array<i32>} : memref<4096xi32, #tpu.memory_space<vmem>>, vector<16xi32>,
      %parallel_loop3A_238 = arith.constant true
      %parallel_loop3A_239 = vector.broadcast %parallel_loop3A_238 : i1 to vector<16xi1>
      %parallel_loop3A_240 = tpu.scan <sum>, %parallel_loop3A_237 masked %parallel_loop3A_239 : vector<16xi32>, vector<16xi1> -> vector<16xi32>
      %parallel_loop3A_241 = arith.constant true
      %parallel_loop3A_242 = vector.broadcast %parallel_loop3A_241 : i1 to vector<16xi1>
      %parallel_loop3A_243 = tpu.scan <sum>, %parallel_loop3A_237 masked %parallel_loop3A_242 : vector<16xi32>, vector<16xi1> -> vector<16xi32>
      %parallel_loop3A_244 = vector.extract %parallel_loop3A_243[15] : i32 from vector<16xi32>
      %parallel_loop3A_245 = arith.addi %parallel_loop3A_240, %parallel_loop3A_231 : vector<16xi32>
      %parallel_loop3A_246 = arith.cmpi slt, %parallel_loop3A_245, %sub3A : vector<16xi32>
      %parallel_loop3A_247 = tpu.all_reduce %parallel_loop3A_246 {dim = 0 : i64, kind = #tpu.reduction_kind<sum>} : vector<16xi1> -> vector<16xi32>
      %parallel_loop3A_248 = arith.addi %parallel_loop3A_232, %parallel_loop3A_247 : vector<16xi32>
      %parallel_loop3A_249 = arith.constant 0 : i32
      %parallel_loop3A_250 = vector.broadcast %parallel_loop3A_249 : i32 to vector<16xi32>
      %parallel_loop3A_251 = arith.select %parallel_loop3A_246, %parallel_loop3A_245, %parallel_loop3A_250 : vector<16xi1>, vector<16xi32>
      %parallel_loop3A_252 = arith.maxsi %parallel_loop3A_233, %parallel_loop3A_251 : vector<16xi32>
      %parallel_loop3A_253 = vector.broadcast %parallel_loop3A_244 : i32 to vector<16xi32>
      %parallel_loop3A_254 = arith.addi %parallel_loop3A_231, %parallel_loop3A_253 : vector<16xi32>
      scf.yield %parallel_loop3A_254, %parallel_loop3A_248, %parallel_loop3A_252 : vector<16xi32>, vector<16xi32>, vector<16xi32>
    } {sc.loop_unroll_factor = 4 : i64, sc.parallel_access}
    %reduce_max3A_56 = arith.constant true
    %reduce_max3A_57 = vector.broadcast %reduce_max3A_56 : i1 to vector<16xi1>
    %reduce_max3A_58 = arith.constant -2147483648 : i32
    %reduce_max3A_59 = vector.broadcast %reduce_max3A_58 : i32 to vector<16xi32>
    %reduce_max3A_60 = arith.xori %parallel_loop3A_55#2, %reduce_max3A_59 : vector<16xi32>
    %reduce_max3A_61 = tpu.scan <max>, %reduce_max3A_60 masked %reduce_max3A_57 : vector<16xi32>, vector<16xi1> -> vector<16xi32>
    %reduce_max3A_62 = arith.xori %reduce_max3A_61, %reduce_max3A_59 : vector<16xi32>
    %reduce_max3A_63 = vector.extract %reduce_max3A_62[15] : i32 from vector<16xi32>
    %broadcast_in_dim3A_64 = vector.broadcast %reduce_max3A_63 : i32 to vector<16xi32>
    %sub3A_65 = arith.subi %sub3A, %broadcast_in_dim3A_64 : vector<16xi32>
    %parallel_loop3A_66 = arith.constant 0 : i32
    %parallel_loop3A_67 = arith.constant 16 : i32
    %parallel_loop3A_68 = arith.constant 1 : i32
    scf.for %parallel_loop3A_230 = %parallel_loop3A_66 to %parallel_loop3A_67 step %parallel_loop3A_68  : i32 {
      %parallel_loop3A_231 = arith.constant 0 : i32
      %parallel_loop3A_232 = vector.broadcast %parallel_loop3A_231 : i32 to vector<16xi32>
      %parallel_loop3A_233 = arith.constant 16 : i32
      %parallel_loop3A_234 = arith.muli %parallel_loop3A_230, %parallel_loop3A_233 : i32
      %parallel_loop3A_235 = arith.index_cast %parallel_loop3A_234 : i32 to index
      %parallel_loop3A_236 = tpu.vector_load %arg7[%parallel_loop3A_235] {strides = array<i32>} : memref<4096xi32, #tpu.memory_space<vmem>>, vector<16xi32>,
      tpu.vector_store %arg7[%parallel_loop3A_235], %parallel_loop3A_232 {strides = array<i32>} : memref<4096xi32, #tpu.memory_space<vmem>>, vector<16xi32>,
    } {sc.loop_unroll_factor = 8 : i64, sc.parallel_access}
    %shift_left3A = arith.constant 12 : i32
    %shift_left3A_69 = vector.broadcast %shift_left3A : i32 to vector<16xi32>
    %shift_left3A_70 = arith.shli %parallel_loop3A_35#1, %shift_left3A_69 : vector<16xi32>
    %or3A = arith.ori %shift_left3A_70, %parallel_loop3A_55#1 : vector<16xi32>
    %parallel_loop3A_71 = arith.constant 0 : i32
    %parallel_loop3A_72 = arith.constant 2048 : i32
    %parallel_loop3A_73 = arith.constant 1 : i32
    scf.for %parallel_loop3A_230 = %parallel_loop3A_71 to %parallel_loop3A_72 step %parallel_loop3A_73  : i32 {
      %parallel_loop3A_231 = arith.constant 16 : i32
      %parallel_loop3A_232 = arith.muli %parallel_loop3A_230, %parallel_loop3A_231 : i32
      %parallel_loop3A_233 = arith.index_cast %parallel_loop3A_232 : i32 to index
      %parallel_loop3A_234 = tpu.vector_load %arg6[%parallel_loop3A_233] {strides = array<i32>} : memref<32768xi32, #tpu.memory_space<vmem>>, vector<16xi32>,
      %parallel_loop3A_235 = arith.constant 8 : i32
      %parallel_loop3A_236 = vector.broadcast %parallel_loop3A_235 : i32 to vector<16xi32>
      %parallel_loop3A_237 = arith.shrui %parallel_loop3A_234, %parallel_loop3A_236 : vector<16xi32>
      %parallel_loop3A_238 = arith.cmpi eq, %parallel_loop3A_237, %or3A : vector<16xi32>
      %parallel_loop3A_239 = arith.constant 255 : i32
      %parallel_loop3A_240 = vector.broadcast %parallel_loop3A_239 : i32 to vector<16xi32>
      %parallel_loop3A_241 = arith.andi %parallel_loop3A_234, %parallel_loop3A_240 : vector<16xi32>
      tpu.vector_store_idx %arg7[%parallel_loop3A_241], %broadcast_in_dim3A_21 masked %parallel_loop3A_238 {add = true} : memref<4096xi32, #tpu.memory_space<vmem>>[vector<16xi32>], vector<16xi32>, vector<16xi1>
    } {sc.loop_unroll_factor = 8 : i64, sc.parallel_access}
    %broadcast_in_dim3A_74 = arith.constant 0 : i32
    %broadcast_in_dim3A_75 = vector.broadcast %broadcast_in_dim3A_74 : i32 to vector<16xi32>
    %parallel_loop3A_76 = arith.constant 0 : i32
    %parallel_loop3A_77 = arith.constant 16 : i32
    %parallel_loop3A_78 = arith.constant 1 : i32
    %parallel_loop3A_79:3 = scf.for %parallel_loop3A_230 = %parallel_loop3A_76 to %parallel_loop3A_77 step %parallel_loop3A_78 iter_args(%parallel_loop3A_231 = %broadcast_in_dim3A_75, %parallel_loop3A_232 = %broadcast_in_dim3A_75, %parallel_loop3A_233 = %broadcast_in_dim3A_75) -> (vector<16xi32>, vector<16xi32>, vector<16xi32>)  : i32 {
      %parallel_loop3A_234 = arith.constant 16 : i32
      %parallel_loop3A_235 = arith.muli %parallel_loop3A_230, %parallel_loop3A_234 : i32
      %parallel_loop3A_236 = arith.index_cast %parallel_loop3A_235 : i32 to index
      %parallel_loop3A_237 = tpu.vector_load %arg7[%parallel_loop3A_236] {strides = array<i32>} : memref<4096xi32, #tpu.memory_space<vmem>>, vector<16xi32>,
      %parallel_loop3A_238 = arith.constant true
      %parallel_loop3A_239 = vector.broadcast %parallel_loop3A_238 : i1 to vector<16xi1>
      %parallel_loop3A_240 = tpu.scan <sum>, %parallel_loop3A_237 masked %parallel_loop3A_239 : vector<16xi32>, vector<16xi1> -> vector<16xi32>
      %parallel_loop3A_241 = arith.constant true
      %parallel_loop3A_242 = vector.broadcast %parallel_loop3A_241 : i1 to vector<16xi1>
      %parallel_loop3A_243 = tpu.scan <sum>, %parallel_loop3A_237 masked %parallel_loop3A_242 : vector<16xi32>, vector<16xi1> -> vector<16xi32>
      %parallel_loop3A_244 = vector.extract %parallel_loop3A_243[15] : i32 from vector<16xi32>
      %parallel_loop3A_245 = arith.addi %parallel_loop3A_240, %parallel_loop3A_231 : vector<16xi32>
      %parallel_loop3A_246 = arith.cmpi slt, %parallel_loop3A_245, %sub3A_65 : vector<16xi32>
      %parallel_loop3A_247 = tpu.all_reduce %parallel_loop3A_246 {dim = 0 : i64, kind = #tpu.reduction_kind<sum>} : vector<16xi1> -> vector<16xi32>
      %parallel_loop3A_248 = arith.addi %parallel_loop3A_232, %parallel_loop3A_247 : vector<16xi32>
      %parallel_loop3A_249 = arith.constant 0 : i32
      %parallel_loop3A_250 = vector.broadcast %parallel_loop3A_249 : i32 to vector<16xi32>
      %parallel_loop3A_251 = arith.select %parallel_loop3A_246, %parallel_loop3A_245, %parallel_loop3A_250 : vector<16xi1>, vector<16xi32>
      %parallel_loop3A_252 = arith.maxsi %parallel_loop3A_233, %parallel_loop3A_251 : vector<16xi32>
      %parallel_loop3A_253 = vector.broadcast %parallel_loop3A_244 : i32 to vector<16xi32>
      %parallel_loop3A_254 = arith.addi %parallel_loop3A_231, %parallel_loop3A_253 : vector<16xi32>
      scf.yield %parallel_loop3A_254, %parallel_loop3A_248, %parallel_loop3A_252 : vector<16xi32>, vector<16xi32>, vector<16xi32>
    } {sc.loop_unroll_factor = 4 : i64, sc.parallel_access}
    %reduce_max3A_80 = arith.constant true
    %reduce_max3A_81 = vector.broadcast %reduce_max3A_80 : i1 to vector<16xi1>
    %reduce_max3A_82 = arith.constant -2147483648 : i32
    %reduce_max3A_83 = vector.broadcast %reduce_max3A_82 : i32 to vector<16xi32>
    %reduce_max3A_84 = arith.xori %parallel_loop3A_79#2, %reduce_max3A_83 : vector<16xi32>
    %reduce_max3A_85 = tpu.scan <max>, %reduce_max3A_84 masked %reduce_max3A_81 : vector<16xi32>, vector<16xi1> -> vector<16xi32>
    %reduce_max3A_86 = arith.xori %reduce_max3A_85, %reduce_max3A_83 : vector<16xi32>
    %reduce_max3A_87 = vector.extract %reduce_max3A_86[15] : i32 from vector<16xi32>
    %broadcast_in_dim3A_88 = vector.broadcast %reduce_max3A_87 : i32 to vector<16xi32>
    %shift_left3A_89 = arith.constant 20 : i32
    %shift_left3A_90 = vector.broadcast %shift_left3A_89 : i32 to vector<16xi32>
    %shift_left3A_91 = arith.shli %parallel_loop3A_35#1, %shift_left3A_90 : vector<16xi32>
    %shift_left3A_92 = arith.constant 8 : i32
    %shift_left3A_93 = vector.broadcast %shift_left3A_92 : i32 to vector<16xi32>
    %shift_left3A_94 = arith.shli %parallel_loop3A_55#1, %shift_left3A_93 : vector<16xi32>
    %or3A_95 = arith.ori %shift_left3A_91, %shift_left3A_94 : vector<16xi32>
    %or3A_96 = arith.ori %or3A_95, %parallel_loop3A_79#1 : vector<16xi32>
    %lt3A = arith.constant 0 : i32
    %lt3A_97 = vector.broadcast %lt3A : i32 to vector<16xi32>
    %lt3A_98 = arith.cmpi slt, %or3A_96, %lt3A_97 : vector<16xi32>
    %xor3A = arith.constant -2147483648 : i32
    %xor3A_99 = vector.broadcast %xor3A : i32 to vector<16xi32>
    %xor3A_100 = arith.xori %or3A_96, %xor3A_99 : vector<16xi32>
    %not3A = arith.constant dense<-1> : vector<16xi32>
    %not3A_101 = arith.xori %or3A_96, %not3A : vector<16xi32>
    %select_n3A = arith.select %lt3A_98, %xor3A_100, %not3A_101 : vector<16xi1>, vector<16xi32>
    %bitcast3A = vector.bitcast %select_n3A : vector<16xi32> to vector<16xf32>
    %parallel_loop3A_102 = arith.constant 0 : i32
    %parallel_loop3A_103 = arith.constant 2048 : i32
    %parallel_loop3A_104 = arith.constant 1 : i32
    scf.for %parallel_loop3A_230 = %parallel_loop3A_102 to %parallel_loop3A_103 step %parallel_loop3A_104  : i32 {
      %parallel_loop3A_231 = arith.constant 16 : i32
      %parallel_loop3A_232 = arith.muli %parallel_loop3A_230, %parallel_loop3A_231 : i32
      %parallel_loop3A_233 = arith.index_cast %parallel_loop3A_232 : i32 to index
      %parallel_loop3A_234 = tpu.vector_load %arg4[%parallel_loop3A_233] {strides = array<i32>} : memref<32768xf32, #tpu.memory_space<vmem>>, vector<16xf32>,
      %parallel_loop3A_235 = arith.cmpf ogt, %parallel_loop3A_234, %bitcast3A : vector<16xf32>
      %parallel_loop3A_236 = arith.constant 0.000000e+00 : f32
      %parallel_loop3A_237 = vector.broadcast %parallel_loop3A_236 : f32 to vector<16xf32>
      %parallel_loop3A_238 = arith.select %parallel_loop3A_235, %parallel_loop3A_234, %parallel_loop3A_237 : vector<16xi1>, vector<16xf32>
      %parallel_loop3A_239 = arith.constant 16 : i32
      %parallel_loop3A_240 = arith.muli %parallel_loop3A_230, %parallel_loop3A_239 : i32
      %parallel_loop3A_241 = arith.index_cast %parallel_loop3A_240 : i32 to index
      %parallel_loop3A_242 = tpu.vector_load %arg4[%parallel_loop3A_241] {strides = array<i32>} : memref<32768xf32, #tpu.memory_space<vmem>>, vector<16xf32>,
      tpu.vector_store %arg4[%parallel_loop3A_241], %parallel_loop3A_238 {strides = array<i32>} : memref<32768xf32, #tpu.memory_space<vmem>>, vector<16xf32>,
    } {sc.loop_unroll_factor = 8 : i64, sc.parallel_access}
    %dma_start3A_105 = arith.constant 0 : i32
    %dma_start3A_106 = tpu.memref_slice %arg3[%mul3A_2, %dma_start3A_105] : memref<64x32768xf32, #tpu.memory_space<hbm>> -> memref<1x32768xf32, #tpu.memory_space<hbm>>
    %dma_start3A_107 = tpu.memref_squeeze %dma_start3A_106 : memref<1x32768xf32, #tpu.memory_space<hbm>> -> memref<32768xf32, #tpu.memory_space<hbm>>
    %dma_start3A_108 = arith.constant 0 : i32
    %dma_start3A_109 = tpu.memref_slice %arg3[%mul3A_2, %dma_start3A_108] : memref<64x32768xf32, #tpu.memory_space<hbm>> -> memref<1x32768xf32, #tpu.memory_space<hbm>>
    %dma_start3A_110 = tpu.memref_squeeze %dma_start3A_109 : memref<1x32768xf32, #tpu.memory_space<hbm>> -> memref<32768xf32, #tpu.memory_space<hbm>>
    tpu.enqueue_dma source(%arg4 : memref<32768xf32, #tpu.memory_space<vmem>>) target(%dma_start3A_110 : memref<32768xf32, #tpu.memory_space<hbm>>) target_semaphore(%arg10 : memref<!tpu.dma_semaphore, #tpu.memory_space<semaphore_mem>>)
    %dma_wait3A_111 = arith.constant 0 : i32
    %dma_wait3A_112 = tpu.memref_slice %arg2[%add3A_4, %dma_wait3A_111] : memref<64x32768xf32, #tpu.memory_space<hbm>> -> memref<1x32768xf32, #tpu.memory_space<hbm>>
    %dma_wait3A_113 = tpu.memref_squeeze %dma_wait3A_112 : memref<1x32768xf32, #tpu.memory_space<hbm>> -> memref<32768xf32, #tpu.memory_space<hbm>>
    %dma_wait3A_114 = arith.constant 0 : i32
    %dma_wait3A_115 = tpu.memref_slice %arg2[%add3A_4, %dma_wait3A_114] : memref<64x32768xf32, #tpu.memory_space<hbm>> -> memref<1x32768xf32, #tpu.memory_space<hbm>>
    %dma_wait3A_116 = tpu.memref_squeeze %dma_wait3A_115 : memref<1x32768xf32, #tpu.memory_space<hbm>> -> memref<32768xf32, #tpu.memory_space<hbm>>
    tpu.wait_dma2 semaphore(%arg9 : memref<!tpu.dma_semaphore, #tpu.memory_space<semaphore_mem>>) src(%dma_wait3A_116 : memref<32768xf32, #tpu.memory_space<hbm>>) dst(%arg5 : memref<32768xf32, #tpu.memory_space<vmem>>)
    %broadcast_in_dim3A_117 = arith.constant 1 : i32
    %broadcast_in_dim3A_118 = vector.broadcast %broadcast_in_dim3A_117 : i32 to vector<16xi32>
    %parallel_loop3A_119 = arith.constant 0 : i32
    %parallel_loop3A_120 = arith.constant 256 : i32
    %parallel_loop3A_121 = arith.constant 1 : i32
    scf.for %parallel_loop3A_230 = %parallel_loop3A_119 to %parallel_loop3A_120 step %parallel_loop3A_121  : i32 {
      %parallel_loop3A_231 = arith.constant 0 : i32
      %parallel_loop3A_232 = vector.broadcast %parallel_loop3A_231 : i32 to vector<16xi32>
      %parallel_loop3A_233 = arith.constant 16 : i32
      %parallel_loop3A_234 = arith.muli %parallel_loop3A_230, %parallel_loop3A_233 : i32
      %parallel_loop3A_235 = arith.index_cast %parallel_loop3A_234 : i32 to index
      %parallel_loop3A_236 = tpu.vector_load %arg7[%parallel_loop3A_235] {strides = array<i32>} : memref<4096xi32, #tpu.memory_space<vmem>>, vector<16xi32>,
      tpu.vector_store %arg7[%parallel_loop3A_235], %parallel_loop3A_232 {strides = array<i32>} : memref<4096xi32, #tpu.memory_space<vmem>>, vector<16xi32>,
    } {sc.loop_unroll_factor = 8 : i64, sc.parallel_access}
    %parallel_loop3A_122 = arith.constant 0 : i32
    %parallel_loop3A_123 = arith.constant 2048 : i32
    %parallel_loop3A_124 = arith.constant 1 : i32
    %parallel_loop3A_125 = arith.constant -2147483648 : i32
    scf.for %parallel_loop3A_230 = %parallel_loop3A_122 to %parallel_loop3A_123 step %parallel_loop3A_124  : i32 {
      %parallel_loop3A_231 = arith.constant 16 : i32
      %parallel_loop3A_232 = arith.muli %parallel_loop3A_230, %parallel_loop3A_231 : i32
      %parallel_loop3A_233 = arith.index_cast %parallel_loop3A_232 : i32 to index
      %parallel_loop3A_234 = tpu.vector_load %arg5[%parallel_loop3A_233] {strides = array<i32>} : memref<32768xf32, #tpu.memory_space<vmem>>, vector<16xf32>,
      %parallel_loop3A_235 = vector.bitcast %parallel_loop3A_234 : vector<16xf32> to vector<16xi32>
      %parallel_loop3A_236 = arith.constant 31 : i32
      %parallel_loop3A_237 = vector.broadcast %parallel_loop3A_236 : i32 to vector<16xi32>
      %parallel_loop3A_238 = arith.shrsi %parallel_loop3A_235, %parallel_loop3A_237 : vector<16xi32>
      %parallel_loop3A_239 = vector.broadcast %parallel_loop3A_125 : i32 to vector<16xi32>
      %parallel_loop3A_240 = arith.ori %parallel_loop3A_238, %parallel_loop3A_239 : vector<16xi32>
      %parallel_loop3A_241 = arith.xori %parallel_loop3A_235, %parallel_loop3A_240 : vector<16xi32>
      %parallel_loop3A_242 = arith.constant 16 : i32
      %parallel_loop3A_243 = arith.muli %parallel_loop3A_230, %parallel_loop3A_242 : i32
      %parallel_loop3A_244 = arith.index_cast %parallel_loop3A_243 : i32 to index
      %parallel_loop3A_245 = tpu.vector_load %arg6[%parallel_loop3A_244] {strides = array<i32>} : memref<32768xi32, #tpu.memory_space<vmem>>, vector<16xi32>,
      tpu.vector_store %arg6[%parallel_loop3A_244], %parallel_loop3A_241 {strides = array<i32>} : memref<32768xi32, #tpu.memory_space<vmem>>, vector<16xi32>,
      %parallel_loop3A_246 = arith.constant 20 : i32
      %parallel_loop3A_247 = vector.broadcast %parallel_loop3A_246 : i32 to vector<16xi32>
      %parallel_loop3A_248 = arith.shrui %parallel_loop3A_241, %parallel_loop3A_247 : vector<16xi32>
      tpu.vector_store_idx %arg7[%parallel_loop3A_248], %broadcast_in_dim3A_118 {add = true} : memref<4096xi32, #tpu.memory_space<vmem>>[vector<16xi32>], vector<16xi32>,
    } {sc.loop_unroll_factor = 8 : i64, sc.parallel_access}
    %broadcast_in_dim3A_126 = arith.constant 29492 : i32
    %broadcast_in_dim3A_127 = vector.broadcast %broadcast_in_dim3A_126 : i32 to vector<16xi32>
    %broadcast_in_dim3A_128 = arith.constant 0 : i32
    %broadcast_in_dim3A_129 = vector.broadcast %broadcast_in_dim3A_128 : i32 to vector<16xi32>
    %parallel_loop3A_130 = arith.constant 0 : i32
    %parallel_loop3A_131 = arith.constant 256 : i32
    %parallel_loop3A_132 = arith.constant 1 : i32
    %parallel_loop3A_133:3 = scf.for %parallel_loop3A_230 = %parallel_loop3A_130 to %parallel_loop3A_131 step %parallel_loop3A_132 iter_args(%parallel_loop3A_231 = %broadcast_in_dim3A_129, %parallel_loop3A_232 = %broadcast_in_dim3A_129, %parallel_loop3A_233 = %broadcast_in_dim3A_129) -> (vector<16xi32>, vector<16xi32>, vector<16xi32>)  : i32 {
      %parallel_loop3A_234 = arith.constant 16 : i32
      %parallel_loop3A_235 = arith.muli %parallel_loop3A_230, %parallel_loop3A_234 : i32
      %parallel_loop3A_236 = arith.index_cast %parallel_loop3A_235 : i32 to index
      %parallel_loop3A_237 = tpu.vector_load %arg7[%parallel_loop3A_236] {strides = array<i32>} : memref<4096xi32, #tpu.memory_space<vmem>>, vector<16xi32>,
      %parallel_loop3A_238 = arith.constant true
      %parallel_loop3A_239 = vector.broadcast %parallel_loop3A_238 : i1 to vector<16xi1>
      %parallel_loop3A_240 = tpu.scan <sum>, %parallel_loop3A_237 masked %parallel_loop3A_239 : vector<16xi32>, vector<16xi1> -> vector<16xi32>
      %parallel_loop3A_241 = arith.constant true
      %parallel_loop3A_242 = vector.broadcast %parallel_loop3A_241 : i1 to vector<16xi1>
      %parallel_loop3A_243 = tpu.scan <sum>, %parallel_loop3A_237 masked %parallel_loop3A_242 : vector<16xi32>, vector<16xi1> -> vector<16xi32>
      %parallel_loop3A_244 = vector.extract %parallel_loop3A_243[15] : i32 from vector<16xi32>
      %parallel_loop3A_245 = arith.addi %parallel_loop3A_240, %parallel_loop3A_231 : vector<16xi32>
      %parallel_loop3A_246 = arith.cmpi slt, %parallel_loop3A_245, %broadcast_in_dim3A_127 : vector<16xi32>
      %parallel_loop3A_247 = tpu.all_reduce %parallel_loop3A_246 {dim = 0 : i64, kind = #tpu.reduction_kind<sum>} : vector<16xi1> -> vector<16xi32>
      %parallel_loop3A_248 = arith.addi %parallel_loop3A_232, %parallel_loop3A_247 : vector<16xi32>
      %parallel_loop3A_249 = arith.constant 0 : i32
      %parallel_loop3A_250 = vector.broadcast %parallel_loop3A_249 : i32 to vector<16xi32>
      %parallel_loop3A_251 = arith.select %parallel_loop3A_246, %parallel_loop3A_245, %parallel_loop3A_250 : vector<16xi1>, vector<16xi32>
      %parallel_loop3A_252 = arith.maxsi %parallel_loop3A_233, %parallel_loop3A_251 : vector<16xi32>
      %parallel_loop3A_253 = vector.broadcast %parallel_loop3A_244 : i32 to vector<16xi32>
      %parallel_loop3A_254 = arith.addi %parallel_loop3A_231, %parallel_loop3A_253 : vector<16xi32>
      scf.yield %parallel_loop3A_254, %parallel_loop3A_248, %parallel_loop3A_252 : vector<16xi32>, vector<16xi32>, vector<16xi32>
    } {sc.loop_unroll_factor = 4 : i64, sc.parallel_access}
    %reduce_max3A_134 = arith.constant true
    %reduce_max3A_135 = vector.broadcast %reduce_max3A_134 : i1 to vector<16xi1>
    %reduce_max3A_136 = arith.constant -2147483648 : i32
    %reduce_max3A_137 = vector.broadcast %reduce_max3A_136 : i32 to vector<16xi32>
    %reduce_max3A_138 = arith.xori %parallel_loop3A_133#2, %reduce_max3A_137 : vector<16xi32>
    %reduce_max3A_139 = tpu.scan <max>, %reduce_max3A_138 masked %reduce_max3A_135 : vector<16xi32>, vector<16xi1> -> vector<16xi32>
    %reduce_max3A_140 = arith.xori %reduce_max3A_139, %reduce_max3A_137 : vector<16xi32>
    %reduce_max3A_141 = vector.extract %reduce_max3A_140[15] : i32 from vector<16xi32>
    %broadcast_in_dim3A_142 = vector.broadcast %reduce_max3A_141 : i32 to vector<16xi32>
    %sub3A_143 = arith.subi %broadcast_in_dim3A_127, %broadcast_in_dim3A_142 : vector<16xi32>
    %parallel_loop3A_144 = arith.constant 0 : i32
    %parallel_loop3A_145 = arith.constant 256 : i32
    %parallel_loop3A_146 = arith.constant 1 : i32
    scf.for %parallel_loop3A_230 = %parallel_loop3A_144 to %parallel_loop3A_145 step %parallel_loop3A_146  : i32 {
      %parallel_loop3A_231 = arith.constant 0 : i32
      %parallel_loop3A_232 = vector.broadcast %parallel_loop3A_231 : i32 to vector<16xi32>
      %parallel_loop3A_233 = arith.constant 16 : i32
      %parallel_loop3A_234 = arith.muli %parallel_loop3A_230, %parallel_loop3A_233 : i32
      %parallel_loop3A_235 = arith.index_cast %parallel_loop3A_234 : i32 to index
      %parallel_loop3A_236 = tpu.vector_load %arg7[%parallel_loop3A_235] {strides = array<i32>} : memref<4096xi32, #tpu.memory_space<vmem>>, vector<16xi32>,
      tpu.vector_store %arg7[%parallel_loop3A_235], %parallel_loop3A_232 {strides = array<i32>} : memref<4096xi32, #tpu.memory_space<vmem>>, vector<16xi32>,
    } {sc.loop_unroll_factor = 8 : i64, sc.parallel_access}
    %parallel_loop3A_147 = arith.constant 0 : i32
    %parallel_loop3A_148 = arith.constant 2048 : i32
    %parallel_loop3A_149 = arith.constant 1 : i32
    scf.for %parallel_loop3A_230 = %parallel_loop3A_147 to %parallel_loop3A_148 step %parallel_loop3A_149  : i32 {
      %parallel_loop3A_231 = arith.constant 16 : i32
      %parallel_loop3A_232 = arith.muli %parallel_loop3A_230, %parallel_loop3A_231 : i32
      %parallel_loop3A_233 = arith.index_cast %parallel_loop3A_232 : i32 to index
      %parallel_loop3A_234 = tpu.vector_load %arg6[%parallel_loop3A_233] {strides = array<i32>} : memref<32768xi32, #tpu.memory_space<vmem>>, vector<16xi32>,
      %parallel_loop3A_235 = arith.constant 20 : i32
      %parallel_loop3A_236 = vector.broadcast %parallel_loop3A_235 : i32 to vector<16xi32>
      %parallel_loop3A_237 = arith.shrui %parallel_loop3A_234, %parallel_loop3A_236 : vector<16xi32>
      %parallel_loop3A_238 = arith.cmpi eq, %parallel_loop3A_237, %parallel_loop3A_133#1 : vector<16xi32>
      %parallel_loop3A_239 = arith.constant 8 : i32
      %parallel_loop3A_240 = vector.broadcast %parallel_loop3A_239 : i32 to vector<16xi32>
      %parallel_loop3A_241 = arith.shrui %parallel_loop3A_234, %parallel_loop3A_240 : vector<16xi32>
      %parallel_loop3A_242 = arith.constant 4095 : i32
      %parallel_loop3A_243 = vector.broadcast %parallel_loop3A_242 : i32 to vector<16xi32>
      %parallel_loop3A_244 = arith.andi %parallel_loop3A_241, %parallel_loop3A_243 : vector<16xi32>
      tpu.vector_store_idx %arg7[%parallel_loop3A_244], %broadcast_in_dim3A_118 masked %parallel_loop3A_238 {add = true} : memref<4096xi32, #tpu.memory_space<vmem>>[vector<16xi32>], vector<16xi32>, vector<16xi1>
    } {sc.loop_unroll_factor = 8 : i64, sc.parallel_access}
    %broadcast_in_dim3A_150 = arith.constant 0 : i32
    %broadcast_in_dim3A_151 = vector.broadcast %broadcast_in_dim3A_150 : i32 to vector<16xi32>
    %parallel_loop3A_152 = arith.constant 0 : i32
    %parallel_loop3A_153 = arith.constant 256 : i32
    %parallel_loop3A_154 = arith.constant 1 : i32
    %parallel_loop3A_155:3 = scf.for %parallel_loop3A_230 = %parallel_loop3A_152 to %parallel_loop3A_153 step %parallel_loop3A_154 iter_args(%parallel_loop3A_231 = %broadcast_in_dim3A_151, %parallel_loop3A_232 = %broadcast_in_dim3A_151, %parallel_loop3A_233 = %broadcast_in_dim3A_151) -> (vector<16xi32>, vector<16xi32>, vector<16xi32>)  : i32 {
      %parallel_loop3A_234 = arith.constant 16 : i32
      %parallel_loop3A_235 = arith.muli %parallel_loop3A_230, %parallel_loop3A_234 : i32
      %parallel_loop3A_236 = arith.index_cast %parallel_loop3A_235 : i32 to index
      %parallel_loop3A_237 = tpu.vector_load %arg7[%parallel_loop3A_236] {strides = array<i32>} : memref<4096xi32, #tpu.memory_space<vmem>>, vector<16xi32>,
      %parallel_loop3A_238 = arith.constant true
      %parallel_loop3A_239 = vector.broadcast %parallel_loop3A_238 : i1 to vector<16xi1>
      %parallel_loop3A_240 = tpu.scan <sum>, %parallel_loop3A_237 masked %parallel_loop3A_239 : vector<16xi32>, vector<16xi1> -> vector<16xi32>
      %parallel_loop3A_241 = arith.constant true
      %parallel_loop3A_242 = vector.broadcast %parallel_loop3A_241 : i1 to vector<16xi1>
      %parallel_loop3A_243 = tpu.scan <sum>, %parallel_loop3A_237 masked %parallel_loop3A_242 : vector<16xi32>, vector<16xi1> -> vector<16xi32>
      %parallel_loop3A_244 = vector.extract %parallel_loop3A_243[15] : i32 from vector<16xi32>
      %parallel_loop3A_245 = arith.addi %parallel_loop3A_240, %parallel_loop3A_231 : vector<16xi32>
      %parallel_loop3A_246 = arith.cmpi slt, %parallel_loop3A_245, %sub3A_143 : vector<16xi32>
      %parallel_loop3A_247 = tpu.all_reduce %parallel_loop3A_246 {dim = 0 : i64, kind = #tpu.reduction_kind<sum>} : vector<16xi1> -> vector<16xi32>
      %parallel_loop3A_248 = arith.addi %parallel_loop3A_232, %parallel_loop3A_247 : vector<16xi32>
      %parallel_loop3A_249 = arith.constant 0 : i32
      %parallel_loop3A_250 = vector.broadcast %parallel_loop3A_249 : i32 to vector<16xi32>
      %parallel_loop3A_251 = arith.select %parallel_loop3A_246, %parallel_loop3A_245, %parallel_loop3A_250 : vector<16xi1>, vector<16xi32>
      %parallel_loop3A_252 = arith.maxsi %parallel_loop3A_233, %parallel_loop3A_251 : vector<16xi32>
      %parallel_loop3A_253 = vector.broadcast %parallel_loop3A_244 : i32 to vector<16xi32>
      %parallel_loop3A_254 = arith.addi %parallel_loop3A_231, %parallel_loop3A_253 : vector<16xi32>
      scf.yield %parallel_loop3A_254, %parallel_loop3A_248, %parallel_loop3A_252 : vector<16xi32>, vector<16xi32>, vector<16xi32>
    } {sc.loop_unroll_factor = 4 : i64, sc.parallel_access}
    %reduce_max3A_156 = arith.constant true
    %reduce_max3A_157 = vector.broadcast %reduce_max3A_156 : i1 to vector<16xi1>
    %reduce_max3A_158 = arith.constant -2147483648 : i32
    %reduce_max3A_159 = vector.broadcast %reduce_max3A_158 : i32 to vector<16xi32>
    %reduce_max3A_160 = arith.xori %parallel_loop3A_155#2, %reduce_max3A_159 : vector<16xi32>
    %reduce_max3A_161 = tpu.scan <max>, %reduce_max3A_160 masked %reduce_max3A_157 : vector<16xi32>, vector<16xi1> -> vector<16xi32>
    %reduce_max3A_162 = arith.xori %reduce_max3A_161, %reduce_max3A_159 : vector<16xi32>
    %reduce_max3A_163 = vector.extract %reduce_max3A_162[15] : i32 from vector<16xi32>
    %broadcast_in_dim3A_164 = vector.broadcast %reduce_max3A_163 : i32 to vector<16xi32>
    %sub3A_165 = arith.subi %sub3A_143, %broadcast_in_dim3A_164 : vector<16xi32>
    %parallel_loop3A_166 = arith.constant 0 : i32
    %parallel_loop3A_167 = arith.constant 16 : i32
    %parallel_loop3A_168 = arith.constant 1 : i32
    scf.for %parallel_loop3A_230 = %parallel_loop3A_166 to %parallel_loop3A_167 step %parallel_loop3A_168  : i32 {
      %parallel_loop3A_231 = arith.constant 0 : i32
      %parallel_loop3A_232 = vector.broadcast %parallel_loop3A_231 : i32 to vector<16xi32>
      %parallel_loop3A_233 = arith.constant 16 : i32
      %parallel_loop3A_234 = arith.muli %parallel_loop3A_230, %parallel_loop3A_233 : i32
      %parallel_loop3A_235 = arith.index_cast %parallel_loop3A_234 : i32 to index
      %parallel_loop3A_236 = tpu.vector_load %arg7[%parallel_loop3A_235] {strides = array<i32>} : memref<4096xi32, #tpu.memory_space<vmem>>, vector<16xi32>,
      tpu.vector_store %arg7[%parallel_loop3A_235], %parallel_loop3A_232 {strides = array<i32>} : memref<4096xi32, #tpu.memory_space<vmem>>, vector<16xi32>,
    } {sc.loop_unroll_factor = 8 : i64, sc.parallel_access}
    %shift_left3A_169 = arith.constant 12 : i32
    %shift_left3A_170 = vector.broadcast %shift_left3A_169 : i32 to vector<16xi32>
    %shift_left3A_171 = arith.shli %parallel_loop3A_133#1, %shift_left3A_170 : vector<16xi32>
    %or3A_172 = arith.ori %shift_left3A_171, %parallel_loop3A_155#1 : vector<16xi32>
    %parallel_loop3A_173 = arith.constant 0 : i32
    %parallel_loop3A_174 = arith.constant 2048 : i32
    %parallel_loop3A_175 = arith.constant 1 : i32
    scf.for %parallel_loop3A_230 = %parallel_loop3A_173 to %parallel_loop3A_174 step %parallel_loop3A_175  : i32 {
      %parallel_loop3A_231 = arith.constant 16 : i32
      %parallel_loop3A_232 = arith.muli %parallel_loop3A_230, %parallel_loop3A_231 : i32
      %parallel_loop3A_233 = arith.index_cast %parallel_loop3A_232 : i32 to index
      %parallel_loop3A_234 = tpu.vector_load %arg6[%parallel_loop3A_233] {strides = array<i32>} : memref<32768xi32, #tpu.memory_space<vmem>>, vector<16xi32>,
      %parallel_loop3A_235 = arith.constant 8 : i32
      %parallel_loop3A_236 = vector.broadcast %parallel_loop3A_235 : i32 to vector<16xi32>
      %parallel_loop3A_237 = arith.shrui %parallel_loop3A_234, %parallel_loop3A_236 : vector<16xi32>
      %parallel_loop3A_238 = arith.cmpi eq, %parallel_loop3A_237, %or3A_172 : vector<16xi32>
      %parallel_loop3A_239 = arith.constant 255 : i32
      %parallel_loop3A_240 = vector.broadcast %parallel_loop3A_239 : i32 to vector<16xi32>
      %parallel_loop3A_241 = arith.andi %parallel_loop3A_234, %parallel_loop3A_240 : vector<16xi32>
      tpu.vector_store_idx %arg7[%parallel_loop3A_241], %broadcast_in_dim3A_118 masked %parallel_loop3A_238 {add = true} : memref<4096xi32, #tpu.memory_space<vmem>>[vector<16xi32>], vector<16xi32>, vector<16xi1>
    } {sc.loop_unroll_factor = 8 : i64, sc.parallel_access}
    %broadcast_in_dim3A_176 = arith.constant 0 : i32
    %broadcast_in_dim3A_177 = vector.broadcast %broadcast_in_dim3A_176 : i32 to vector<16xi32>
    %parallel_loop3A_178 = arith.constant 0 : i32
    %parallel_loop3A_179 = arith.constant 16 : i32
    %parallel_loop3A_180 = arith.constant 1 : i32
    %parallel_loop3A_181:3 = scf.for %parallel_loop3A_230 = %parallel_loop3A_178 to %parallel_loop3A_179 step %parallel_loop3A_180 iter_args(%parallel_loop3A_231 = %broadcast_in_dim3A_177, %parallel_loop3A_232 = %broadcast_in_dim3A_177, %parallel_loop3A_233 = %broadcast_in_dim3A_177) -> (vector<16xi32>, vector<16xi32>, vector<16xi32>)  : i32 {
      %parallel_loop3A_234 = arith.constant 16 : i32
      %parallel_loop3A_235 = arith.muli %parallel_loop3A_230, %parallel_loop3A_234 : i32
      %parallel_loop3A_236 = arith.index_cast %parallel_loop3A_235 : i32 to index
      %parallel_loop3A_237 = tpu.vector_load %arg7[%parallel_loop3A_236] {strides = array<i32>} : memref<4096xi32, #tpu.memory_space<vmem>>, vector<16xi32>,
      %parallel_loop3A_238 = arith.constant true
      %parallel_loop3A_239 = vector.broadcast %parallel_loop3A_238 : i1 to vector<16xi1>
      %parallel_loop3A_240 = tpu.scan <sum>, %parallel_loop3A_237 masked %parallel_loop3A_239 : vector<16xi32>, vector<16xi1> -> vector<16xi32>
      %parallel_loop3A_241 = arith.constant true
      %parallel_loop3A_242 = vector.broadcast %parallel_loop3A_241 : i1 to vector<16xi1>
      %parallel_loop3A_243 = tpu.scan <sum>, %parallel_loop3A_237 masked %parallel_loop3A_242 : vector<16xi32>, vector<16xi1> -> vector<16xi32>
      %parallel_loop3A_244 = vector.extract %parallel_loop3A_243[15] : i32 from vector<16xi32>
      %parallel_loop3A_245 = arith.addi %parallel_loop3A_240, %parallel_loop3A_231 : vector<16xi32>
      %parallel_loop3A_246 = arith.cmpi slt, %parallel_loop3A_245, %sub3A_165 : vector<16xi32>
      %parallel_loop3A_247 = tpu.all_reduce %parallel_loop3A_246 {dim = 0 : i64, kind = #tpu.reduction_kind<sum>} : vector<16xi1> -> vector<16xi32>
      %parallel_loop3A_248 = arith.addi %parallel_loop3A_232, %parallel_loop3A_247 : vector<16xi32>
      %parallel_loop3A_249 = arith.constant 0 : i32
      %parallel_loop3A_250 = vector.broadcast %parallel_loop3A_249 : i32 to vector<16xi32>
      %parallel_loop3A_251 = arith.select %parallel_loop3A_246, %parallel_loop3A_245, %parallel_loop3A_250 : vector<16xi1>, vector<16xi32>
      %parallel_loop3A_252 = arith.maxsi %parallel_loop3A_233, %parallel_loop3A_251 : vector<16xi32>
      %parallel_loop3A_253 = vector.broadcast %parallel_loop3A_244 : i32 to vector<16xi32>
      %parallel_loop3A_254 = arith.addi %parallel_loop3A_231, %parallel_loop3A_253 : vector<16xi32>
      scf.yield %parallel_loop3A_254, %parallel_loop3A_248, %parallel_loop3A_252 : vector<16xi32>, vector<16xi32>, vector<16xi32>
    } {sc.loop_unroll_factor = 4 : i64, sc.parallel_access}
    %reduce_max3A_182 = arith.constant true
    %reduce_max3A_183 = vector.broadcast %reduce_max3A_182 : i1 to vector<16xi1>
    %reduce_max3A_184 = arith.constant -2147483648 : i32
    %reduce_max3A_185 = vector.broadcast %reduce_max3A_184 : i32 to vector<16xi32>
    %reduce_max3A_186 = arith.xori %parallel_loop3A_181#2, %reduce_max3A_185 : vector<16xi32>
    %reduce_max3A_187 = tpu.scan <max>, %reduce_max3A_186 masked %reduce_max3A_183 : vector<16xi32>, vector<16xi1> -> vector<16xi32>
    %reduce_max3A_188 = arith.xori %reduce_max3A_187, %reduce_max3A_185 : vector<16xi32>
    %reduce_max3A_189 = vector.extract %reduce_max3A_188[15] : i32 from vector<16xi32>
    %broadcast_in_dim3A_190 = vector.broadcast %reduce_max3A_189 : i32 to vector<16xi32>
    %shift_left3A_191 = arith.constant 20 : i32
    %shift_left3A_192 = vector.broadcast %shift_left3A_191 : i32 to vector<16xi32>
    %shift_left3A_193 = arith.shli %parallel_loop3A_133#1, %shift_left3A_192 : vector<16xi32>
    %shift_left3A_194 = arith.constant 8 : i32
    %shift_left3A_195 = vector.broadcast %shift_left3A_194 : i32 to vector<16xi32>
    %shift_left3A_196 = arith.shli %parallel_loop3A_155#1, %shift_left3A_195 : vector<16xi32>
    %or3A_197 = arith.ori %shift_left3A_193, %shift_left3A_196 : vector<16xi32>
    %or3A_198 = arith.ori %or3A_197, %parallel_loop3A_181#1 : vector<16xi32>
    %lt3A_199 = arith.constant 0 : i32
    %lt3A_200 = vector.broadcast %lt3A_199 : i32 to vector<16xi32>
    %lt3A_201 = arith.cmpi slt, %or3A_198, %lt3A_200 : vector<16xi32>
    %xor3A_202 = arith.constant -2147483648 : i32
    %xor3A_203 = vector.broadcast %xor3A_202 : i32 to vector<16xi32>
    %xor3A_204 = arith.xori %or3A_198, %xor3A_203 : vector<16xi32>
    %not3A_205 = arith.constant dense<-1> : vector<16xi32>
    %not3A_206 = arith.xori %or3A_198, %not3A_205 : vector<16xi32>
    %select_n3A_207 = arith.select %lt3A_201, %xor3A_204, %not3A_206 : vector<16xi1>, vector<16xi32>
    %bitcast3A_208 = vector.bitcast %select_n3A_207 : vector<16xi32> to vector<16xf32>
    %parallel_loop3A_209 = arith.constant 0 : i32
    %parallel_loop3A_210 = arith.constant 2048 : i32
    %parallel_loop3A_211 = arith.constant 1 : i32
    scf.for %parallel_loop3A_230 = %parallel_loop3A_209 to %parallel_loop3A_210 step %parallel_loop3A_211  : i32 {
      %parallel_loop3A_231 = arith.constant 16 : i32
      %parallel_loop3A_232 = arith.muli %parallel_loop3A_230, %parallel_loop3A_231 : i32
      %parallel_loop3A_233 = arith.index_cast %parallel_loop3A_232 : i32 to index
      %parallel_loop3A_234 = tpu.vector_load %arg5[%parallel_loop3A_233] {strides = array<i32>} : memref<32768xf32, #tpu.memory_space<vmem>>, vector<16xf32>,
      %parallel_loop3A_235 = arith.cmpf ogt, %parallel_loop3A_234, %bitcast3A_208 : vector<16xf32>
      %parallel_loop3A_236 = arith.constant 0.000000e+00 : f32
      %parallel_loop3A_237 = vector.broadcast %parallel_loop3A_236 : f32 to vector<16xf32>
      %parallel_loop3A_238 = arith.select %parallel_loop3A_235, %parallel_loop3A_234, %parallel_loop3A_237 : vector<16xi1>, vector<16xf32>
      %parallel_loop3A_239 = arith.constant 16 : i32
      %parallel_loop3A_240 = arith.muli %parallel_loop3A_230, %parallel_loop3A_239 : i32
      %parallel_loop3A_241 = arith.index_cast %parallel_loop3A_240 : i32 to index
      %parallel_loop3A_242 = tpu.vector_load %arg5[%parallel_loop3A_241] {strides = array<i32>} : memref<32768xf32, #tpu.memory_space<vmem>>, vector<16xf32>,
      tpu.vector_store %arg5[%parallel_loop3A_241], %parallel_loop3A_238 {strides = array<i32>} : memref<32768xf32, #tpu.memory_space<vmem>>, vector<16xf32>,
    } {sc.loop_unroll_factor = 8 : i64, sc.parallel_access}
    %dma_start3A_212 = arith.constant 0 : i32
    %dma_start3A_213 = tpu.memref_slice %arg3[%add3A_4, %dma_start3A_212] : memref<64x32768xf32, #tpu.memory_space<hbm>> -> memref<1x32768xf32, #tpu.memory_space<hbm>>
    %dma_start3A_214 = tpu.memref_squeeze %dma_start3A_213 : memref<1x32768xf32, #tpu.memory_space<hbm>> -> memref<32768xf32, #tpu.memory_space<hbm>>
    %dma_start3A_215 = arith.constant 0 : i32
    %dma_start3A_216 = tpu.memref_slice %arg3[%add3A_4, %dma_start3A_215] : memref<64x32768xf32, #tpu.memory_space<hbm>> -> memref<1x32768xf32, #tpu.memory_space<hbm>>
    %dma_start3A_217 = tpu.memref_squeeze %dma_start3A_216 : memref<1x32768xf32, #tpu.memory_space<hbm>> -> memref<32768xf32, #tpu.memory_space<hbm>>
    tpu.enqueue_dma source(%arg5 : memref<32768xf32, #tpu.memory_space<vmem>>) target(%dma_start3A_217 : memref<32768xf32, #tpu.memory_space<hbm>>) target_semaphore(%arg11 : memref<!tpu.dma_semaphore, #tpu.memory_space<semaphore_mem>>)
    %dma_wait3A_218 = arith.constant 0 : i32
    %dma_wait3A_219 = tpu.memref_slice %arg3[%mul3A_2, %dma_wait3A_218] : memref<64x32768xf32, #tpu.memory_space<hbm>> -> memref<1x32768xf32, #tpu.memory_space<hbm>>
    %dma_wait3A_220 = tpu.memref_squeeze %dma_wait3A_219 : memref<1x32768xf32, #tpu.memory_space<hbm>> -> memref<32768xf32, #tpu.memory_space<hbm>>
    %dma_wait3A_221 = arith.constant 0 : i32
    %dma_wait3A_222 = tpu.memref_slice %arg3[%mul3A_2, %dma_wait3A_221] : memref<64x32768xf32, #tpu.memory_space<hbm>> -> memref<1x32768xf32, #tpu.memory_space<hbm>>
    %dma_wait3A_223 = tpu.memref_squeeze %dma_wait3A_222 : memref<1x32768xf32, #tpu.memory_space<hbm>> -> memref<32768xf32, #tpu.memory_space<hbm>>
    tpu.wait_dma2 semaphore(%arg10 : memref<!tpu.dma_semaphore, #tpu.memory_space<semaphore_mem>>) src(%arg4 : memref<32768xf32, #tpu.memory_space<vmem>>) dst(%dma_wait3A_223 : memref<32768xf32, #tpu.memory_space<hbm>>)
    %dma_wait3A_224 = arith.constant 0 : i32
    %dma_wait3A_225 = tpu.memref_slice %arg3[%add3A_4, %dma_wait3A_224] : memref<64x32768xf32, #tpu.memory_space<hbm>> -> memref<1x32768xf32, #tpu.memory_space<hbm>>
    %dma_wait3A_226 = tpu.memref_squeeze %dma_wait3A_225 : memref<1x32768xf32, #tpu.memory_space<hbm>> -> memref<32768xf32, #tpu.memory_space<hbm>>
    %dma_wait3A_227 = arith.constant 0 : i32
    %dma_wait3A_228 = tpu.memref_slice %arg3[%add3A_4, %dma_wait3A_227] : memref<64x32768xf32, #tpu.memory_space<hbm>> -> memref<1x32768xf32, #tpu.memory_space<hbm>>
    %dma_wait3A_229 = tpu.memref_squeeze %dma_wait3A_228 : memref<1x32768xf32, #tpu.memory_space<hbm>> -> memref<32768xf32, #tpu.memory_space<hbm>>
    tpu.wait_dma2 semaphore(%arg11 : memref<!tpu.dma_semaphore, #tpu.memory_space<semaphore_mem>>) src(%arg5 : memref<32768xf32, #tpu.memory_space<vmem>>) dst(%dma_wait3A_229 : memref<32768xf32, #tpu.memory_space<hbm>>)
    return
  }
}

</mosaic_0001>

<sc_bundles>
// kernel: kernel.3.cloned.1.call-start
scs
__scs_entry_jumppad:
0x0: {  	(pc) =	sbr.rel $0x88, $3  }
0x1: {  	(tag) =	ssettag $0x0;
	lr =	simm.s32 $0x1  }
0x2: {  	[smem:$0x3FA0] =	sst lr;
	_ =	strace $0xD0000000  }
0x3: {  	_ = 	snop  }
0x4: {  	_ = 	snop  }
0x5: {  	_ = 	snop  }
0x6: {  	_ = 	snop  }
0x7: {  	_ = 	snop  }
__scs_overlays_trampoline_lowered:
0x8: {  	[smem:$0x3FAF] =	sst s0  }
0x9: {  	[smem:$0x3FB0] =	sst s1  }
0xa: {  	[smem:$0x3FB1] =	sst s2  }
0xb: {  	[smem:$0x3FB2] =	sst s3  }
0xc: {  	[smem:$0x3FB3] =	sst s4  }
0xd: {  	[smem:$0x3FB4] =	sst s5  }
0xe: {  	[smem:$0x3FB5] =	sst s6  }
0xf: {  	[smem:$0x3FB6] =	sst s7  }
0x10: {  	[smem:$0x3FB7] =	sst s8  }
0x11: {  	[smem:$0x3FB8] =	sst s9;
	s0 =	simm.s32 @!p0 $0x0  }
0x12: {  	s1 =	sld [smem:$0x3F9E];
	s0 =	simm.s32 @p0 $0x1  }
0x13: {  	[smem:$0x3FB9] =	sst s0;
	s0 =	simm.s32 @!p1 $0x0  }
0x14: {  	s2 =	sld [smem:$0x3F9D];
	s0 =	simm.s32 @p1 $0x1  }
0x15: {  	[smem:$0x3FBA] =	sst s0;
	s0 =	simm.s32 @!p2 $0x0  }
0x16: {  	s3 =	sld [smem:$0x3FDB];
	s0 =	simm.s32 @p2 $0x1  }
0x17: {  	s4 =	simm.s32 $0x1BF5;
	[smem:$0x3FBC] =	sst s0  }
0x18: {  	s0 =	sld [smem:$0x3F9F];
	_ =	swait.ge [sflag:s4], $0x0  }
0x19: {  	s7 =	sld [smem:$0x3FA0]  }
0x1a: {  	s8 =	sadd.s32 $0xFFFFE003, lr  }
0x1b: {  	s9 =	sadd.s32 $0xFFFFFEF7, lr;
	s5 =	simm.s32 $0xFFFFFFFF;
	p2 =	slt.u32 s8, $0xFFFFF086  }
0x1c: {  	p1 =	slt.u32 s9, $0xF7A;
	s5 =	simm.s32 @!p2 $0x0  }
0x1d: {  	s5 =	simm.s32 @p1 $0x1;
	p0 =	seq.s32 s7, s2  }
0x1e: {  	s7 =	smul.u32 @!p0 $0xF7A, s2;
	p2 =	seq.s32 @!p0 s5, $0x0  }
0x1f: {  	s9 =	smul.u32 $0xF7A, s1;
	s8 =	simm.s32 @!p0 $0x1BF5;
	p2 =	por !p2, p0  }
0x20: {  	[sflag:s8] =	ssyncset.s32 @!p0 $0xFFFFF086;
	s6 =	sadd.s32 @!p0 s3, s7;
	s7 =	simm.s32 @!p0 $0x108  }
0x21: {  	s3 =	sadd.s32 s3, s9;
	s6 =	sadd.s32 @!p0 $0x88, s6;
	s7 =	simm.s32 @p2 $0x1082  }
0x22: {  	[simem:s7], [sflag:s8] =	dma.local @!p0 [hbm:s6], $0xF7A  }
0x23: {  	s9 =	sor.u32 $0xD0000000, s2;
	s6 =	simm.s32 $0x108;
	_ =	swait.ge @!p0 [sflag:s8], $0x0  }
0x24: {  	s3 =	sadd.s32 $0x88, s3;
	s6 =	simm.s32 @!p1 $0x1082;
	[sflag:s4] =	ssyncset.s32 $0xFFFFF086  }
0x25: {  	[simem:s6], [sflag:s4] =	dma.local [hbm:s3], $0xF7A  }
0x26: {  	[smem:$0x3FA0] =	sst s1;
	(tag) =	ssettag s2;
	_ =	strace s9  }
0x27: {  	s1 =	sld [smem:$0x3FB0]  }
0x28: {  	s2 =	sld [smem:$0x3FB1]  }
0x29: {  	s4 =	sld [smem:$0x3FB3]  }
0x2a: {  	p0 =	seq.s32 s5, $0x0;
	s5 =	sld [smem:$0x3FB4]  }
0x2b: {  	s6 =	sld [smem:$0x3FB5]  }
0x2c: {  	s7 =	sld [smem:$0x3FB6]  }
0x2d: {  	s3 =	simm.s32 $0x108;
	s8 =	sld [smem:$0x3FB7]  }
0x2e: {  	s3 =	simm.s32 @!p0 $0x1082;
	s9 =	sld [smem:$0x3FB8]  }
0x2f: {  	lr =	sadd.s32 s0, s3;
	s0 =	sld [smem:$0x3FAF]  }
0x30: {  	s3 =	sld [smem:$0x3FB2]  }
0x31: {  	[smem:$0x3FBB] =	sst s10  }
0x32: {  	s10 =	sld [smem:$0x3FB9];
	_ =	sdelay $0x3  }
0x33: {  	p0 =	seq.s32 s10, $0x1;
	s10 =	sld [smem:$0x3FBB];
	_ =	sdelay $0x3  }
0x34: {  	[smem:$0x3FBB] =	sst s10  }
0x35: {  	s10 =	sld [smem:$0x3FBA];
	_ =	sdelay $0x3  }
0x36: {  	p1 =	seq.s32 s10, $0x1;
	s10 =	sld [smem:$0x3FBB];
	_ =	sdelay $0x3  }
0x37: {  	[smem:$0x3FBB] =	sst s10  }
0x38: {  	s10 =	sld [smem:$0x3FBC]  }
0x39: {  	_ = 	snop;
	(pc) =	sbr.ind lr, $3  }
0x3a: {  	_ = 	snop  }
0x3b: {  	_ = 	snop  }
0x3c: {  	p2 =	seq.s32 s10, $0x1;
	s10 =	sld [smem:$0x3FBB]  }
0x3d: {  	_ =	shalt  }
0x3e: {  	_ =	shalt  }
0x3f: {  	_ =	shalt  }
0x40: {  	_ =	shalt  }
0x41: {  	_ =	shalt  }
0x42: {  	_ =	shalt  }
0x43: {  	_ =	shalt  }
0x44: {  	_ =	shalt  }
0x45: {  	_ =	shalt  }
0x46: {  	_ =	shalt  }
0x47: {  	_ =	shalt  }
0x48: {  	_ =	shalt  }
0x49: {  	_ =	shalt  }
0x4a: {  	_ =	shalt  }
0x4b: {  	_ =	shalt  }
0x4c: {  	_ =	shalt  }
0x4d: {  	_ =	shalt  }
0x4e: {  	_ =	shalt  }
0x4f: {  	_ =	shalt  }
0x50: {  	_ =	shalt  }
0x51: {  	_ =	shalt  }
0x52: {  	_ =	shalt  }
0x53: {  	_ =	shalt  }
0x54: {  	_ =	shalt  }
0x55: {  	_ =	shalt  }
0x56: {  	_ =	shalt  }
0x57: {  	_ =	shalt  }
0x58: {  	_ =	shalt  }
0x59: {  	_ =	shalt  }
0x5a: {  	_ =	shalt  }
0x5b: {  	_ =	shalt  }
0x5c: {  	_ =	shalt  }
0x5d: {  	_ =	shalt  }
0x5e: {  	_ =	shalt  }
0x5f: {  	_ =	shalt  }
0x60: {  	_ =	shalt  }
0x61: {  	_ =	shalt  }
0x62: {  	_ =	shalt  }
0x63: {  	_ =	shalt  }
0x64: {  	_ =	shalt  }
0x65: {  	_ =	shalt  }
0x66: {  	_ =	shalt  }
0x67: {  	_ =	shalt  }
0x68: {  	_ =	shalt  }
0x69: {  	_ =	shalt  }
0x6a: {  	_ =	shalt  }
0x6b: {  	_ =	shalt  }
0x6c: {  	_ =	shalt  }
0x6d: {  	_ =	shalt  }
0x6e: {  	_ =	shalt  }
0x6f: {  	_ =	shalt  }
0x70: {  	_ =	shalt  }
0x71: {  	_ =	shalt  }
0x72: {  	_ =	shalt  }
0x73: {  	_ =	shalt  }
0x74: {  	_ =	shalt  }
0x75: {  	_ =	shalt  }
0x76: {  	_ =	shalt  }
0x77: {  	_ =	shalt  }
0x78: {  	_ =	shalt  }
0x79: {  	_ =	shalt  }
0x7a: {  	_ =	shalt  }
0x7b: {  	_ =	shalt  }
0x7c: {  	_ =	shalt  }
0x7d: {  	_ =	shalt  }
0x7e: {  	_ =	shalt  }
0x7f: {  	_ =	shalt  }
0x80: {  	_ =	shalt  }
0x81: {  	_ =	shalt  }
0x82: {  	_ =	shalt  }
0x83: {  	_ =	shalt  }
0x84: {  	_ =	shalt  }
0x85: {  	_ =	shalt  }
0x86: {  	_ =	shalt  }
0x87: {  	_ =	shalt  }
.Lfunc_end0:
.L_simem_size_0:
called_computation_lowered:
.L_overlay_start_0:
0x88: {  	s2 =	sld [smem:$0x3FD9]  }
0x89: {  	s3 =	sld [smem:$0x3FFE];
	_ =	sdelay $0x1  }
0x8a: {  	s1 =	srdreg.scid  }
0x8b: {  	s0 =	sand.u32 $0x1, s1  }
0x8c: {  	s18 =	sshll.u32 s0, $0xA;
	s2 =	sadd.s32 s3, s2  }
0x8d: {  	s2 =	sadd.s32 s2, s18  }
0x8e: {  	[smem:$0x3FC7] =	sst s2  }
0x8f: {  	_ = 	snop  }
0x90: {  	s2 =	sld [smem:$0x3FC9]  }
0x91: {  	s19 =	sld [smem:$0x3FD0];
	(tm) =	ssettm $0x1  }
0x92: {  	s4 =	sld [smem:$0x3FFB];
	_ =	sdelay $0x3  }
0x93: {  	_ =	strace s4  }
0x94: {  	s4 =	sld [smem:$0x3FFC];
	_ =	sdelay $0x3  }
0x95: {  	_ =	strace s4  }
0x96: {  	s4 =	sld [smem:$0x3FFD];
	_ =	sdelay $0x3  }
0x97: {  	_ =	strace s4  }
0x98: {  	_ =	strace $0x8FFFFFFF  }
0x99: {  	s20 =	sld [smem:$0x3FDB];
	_ =	sdelay $0x1  }
0x9a: {  	s5 =	simm.s32 $_scs_section_size  }
0x9b: {  	s6 =	simm.s32 $_size__tile_overlayer_lowered;
	s7 =	simm.s32 $_tile_overlayer_lowered  }
0x9c: {  	s23 =	simm.s32 $0x1BFF;
	s22 =	sshll.u32 s7, $0x1;
	s4 =	sadd.s32 s5, s20  }
0x9d: {  	s8 =	simm.s32 $0x0;
	s21 =	sshll.u32 s6, $0x1;
	s6 =	sadd.s32 s22, s4  }
0x9e: {  	[timem:s8], [sflag:s23] =	dma.local [hbm:s6], s21  }
0x9f: {  	_ =	swait.ge [sflag:s23], s21  }
0xa0: {  	s5 =	ssub.s32 $0x0, s21;
	[sflag:s23] =	ssyncset.done $0x0  }
0xa1: {  	[sflag:s23] =	ssyncadd.s32 s5;
	_ =	sdelay $0x1  }
0xa2: {  	s24 =	simm.s32 $0x1B8B  }
0xa3: {  	_ =	swait.ge [sflag:s24], $0x1  }
0xa4: {  	[sflag:s24] =	ssyncset.done $0x0  }
0xa5: {  	s25 =	simm.s32 $0x1B8E;
	[sflag:s24] =	ssyncadd.s32 $0xFFFFFFFF  }
0xa6: {  	s26 =	simm.s32 $execute0_lowered;
	[smem:$0x3FD2] =	sst s25  }
0xa7: {  	s5 =	sshll.u32 s26, $0x1;
	_ =	strace $0x80000046;
	[dreg:$0x1] =	wrdreg $0xFFFFFFFF  }
0xa8: {  	s28 =	simm.s32 $_size_execute0_lowered;
	s4 =	sadd.s32 s4, s5;
	[dreg:$0x0] =	wrdreg $0x0  }
0xa9: {  	s5 =	sshll.u32 s28, $0x1;
	[dreg:$0x2] =	wrdreg s4  }
0xaa: {  	[dreg:$0x3] =	wrdreg s5  }
0xab: {  	[dreg:$0x4] =	wrdreg $0xC0  }
0xac: {  	_ =	task [dreg:s8], $0x5FFFF  }
0xad: {  	[dreg:$0x1] =	wrdreg $0xFFFFFFFF  }
0xae: {  	[dreg:$0x0] =	wrdreg $0x60  }
0xaf: {  	[dreg:$0x2] =	wrdreg s2  }
0xb0: {  	[dreg:$0x3] =	wrdreg s19  }
0xb1: {  	[dreg:$0x4] =	wrdreg $0x9  }
0xb2: {  	_ =	task.clear_ibuf [dreg:s8], $0x5FFFF;
	_ =	strace $0x90000046  }
0xb3: {  	s29 =	simm.s32 $0x9;
	_ =	strace $0x80000048  }
0xb4: {  	_ =	swait.ge [sflag:s29], $0x1  }
0xb5: {  	[sflag:s29] =	ssyncadd.s32 $0xFFFFFFFF  }
0xb6: {  	_ =	strace $0x90000048  }
0xb7: {  	_ =	sfence  }
0xb8: {  	s30 =	sld [smem:$0x0];
	_ =	sdelay $0x2  }
0xb9: {  	s31 =	sshll.u32 s1, $0xD;
	s1 =	sshrl.u32 s1, $0x2  }
0xba: {  	s3 =	sand.u32 $0x4000, s31;
	s1 =	sadd.s32 s1, s30  }
0xbb: {  	s0 =	sor.u32 s3, s0;
	s1 =	sshll.u32 s1, $0x11  }
0xbc: {  	s0 =	sor.u32 s1, s0  }
0xbd: {  	s0 =	sadd.s32 $0x8F2B, s0  }
0xbe: {  	[sflag:s0] =	ssyncadd.remote.s32 $0x1  }
0xbf: {  	_ =	sfence.sel $0xFFFF  }
0xc0: {  	[dreg:$0x0] =	wrdreg $0xFFFFFFFF;
	(pc) =	sbr.abs _section_cstart, $3  }
0xc1: {  	[dreg:$0x1] =	wrdreg $0xFFFFFFFF  }
0xc2: {  	_ =	task.clear_ibuf [dreg:s8], $0x2FFFF;
	_ =	strace $0x9FFFFFFF  }
0xc3: {  	(tm) =	ssettm $0x7FFFFFFF  }
tec
execute0_lowered:
.L_overlay_start_1:
0x0: {  	(tag) =	ssettag $0x1  }
0x1: {  	s4 =	rddreg [dreg:$0x0]  }
0x2: {  	s6 =	rddreg [dreg:$0x1]  }
0x3: {  	s2 =	srdreg.scid;
	s1 =	stileid.u32  }
0x4: {  	s0 =	rddreg [dreg:$0x2];
	s9 =	simm.s32 $0x400;
	s10 =	simm.s32 $0x8000  }
0x5: {  	s11 =	simm.s32 $0x1;
	s12 =	simm.s32 $0x18000;
	s13 =	simm.s32 $0x2  }
0x6: {  	s14 =	simm.s32 $0x3;
	s15 =	simm.s32 $0x4;
	s16 =	simm.s32 $0x0  }
0x7: {  	s3 =	sand.u32 $0x1, s2;
	s29 =	sshll.u32 s1, $0x6;
	s7 =	sshll.u32 s1, $0xE  }
0x8: {  	s2 =	simm.s32 $0x0;
	s5 =	sshll.u32 s3, $0x5;
	s8 =	sand.u32 $0x40, s29  }
0x9: {  	s7 =	sand.u32 $0x38000, s7;
	[smem:$0x7FF] =	sst s2;
	s3 =	ssub.s32 $0x2, s3  }
0xa: {  	s5 =	sor.u32 s5, s8;
	_ =	strace $0x80000047;
	s30 =	sshrl.u32 s3, $0x1  }
0xb: {  	s8 =	simm.s32 $0x80;
	s5 =	sor.u32 s7, s5;
	s7 =	ssub.s32 s3, s30  }
0xc: {  	s31 =	sor.u32 $0x10, s5;
	s3 =	sadd.s32 s4, s5;
	s5 =	sadd.s32 s6, s5  }
0xd: {  	v0 =	vimm.s32 $0x0;
	v1 =	vimm.s32 $0x1;
	v2 =	vimm.s32 $0x80000000;
	s7 =	smax.u32 s7, $0x1;
	s4 =	sadd.s32 s4, s31;
	s6 =	sadd.s32 s6, s31  }
.LBB2_1:
0xe: {  	[tilespmem:s2], [sflag:$0x1] =	stream.strided.gather [hbm4b:s3+s8], $0x8000, s9, s8, $0x38;
	[tilespmem:$0x19000] =	vst v63  }
0xf: {  	_ = 	snop  }
0x10: {  	[tilespmem:s10], [sflag:$0x2] =	stream.strided.gather [hbm4b:s4+s8], $0x8000, s9, s8, $0x38;
	[tilespmem:$0x19000] =	vst v63  }
0x11: {  	_ =	swait.ge [sflag:s11], $0x8000  }
0x12: {  	[sflag:s11] =	ssyncset.done $0x0  }
0x13: {  	s19 =	simm.s32 $0x18040;
	[sflag:s11] =	ssyncadd.s32 $0xFFFF8000  }
0x14: {  	[tilespmem:s19+$0xFFFFFFC0] =	vst v0  }
0x15: {  	[tilespmem:s19+$0x30] =	vst v0  }
0x16: {  	[tilespmem:s19+$0x20] =	vst v0  }
0x17: {  	[tilespmem:s19+$0x10] =	vst v0  }
0x18: {  	[tilespmem:s19+$0x0] =	vst v0  }
0x19: {  	[tilespmem:s19+$0xFFFFFFF0] =	vst v0  }
0x1a: {  	s20 =	simm.s32 $0x0;
	s17 =	simm.s32 $0x10040;
	[tilespmem:s19+$0xFFFFFFE0] =	vst v0  }
.LBB2_2:
0x1b: {  	s20 =	sadd.s32 $0x8, s20;
	[tilespmem:s19+$0xFFFFFFD0] =	vst v0;
	s19 =	sadd.s32 $0x80, s19;
	s18 =	simm.s32 $0x40  }
0x1c: {  	[tilespmem:s19+$0xFFFFFFC0] =	vst v0;
	p0 =	slt.u32 s20, $0xF8  }
0x1d: {  	[tilespmem:s19+$0x30] =	vst v0  }
.Ltmp0:
0x1e: {  	[tilespmem:s19+$0x20] =	vst v0;
	(pc) =	sbr.rel @p0 .LBB2_2-.Ltmp0, $4  }
0x1f: {  	[tilespmem:s19+$0x10] =	vst v0  }
0x20: {  	[tilespmem:s19+$0x0] =	vst v0  }
0x21: {  	[tilespmem:s19+$0xFFFFFFF0] =	vst v0  }
0x22: {  	[tilespmem:s19+$0xFFFFFFE0] =	vst v0  }
0x23: {  	[tilespmem:s19+$0xFFFFFFD0] =	vst v0  }
0x24: {  	v3 =	vld [tilespmem:s18+$0xFFFFFFE0]  }
0x25: {  	v6 =	vld [tilespmem:s18+$0x20]  }
0x26: {  	v7 =	vld [tilespmem:s18+$0xFFFFFFC0]  }
0x27: {  	v12 =	vld [tilespmem:s18+$0x30]  }
0x28: {  	v5 =	vld [tilespmem:s18+$0xFFFFFFF0]  }
0x29: {  	v8 =	vld [tilespmem:s18+$0x10];
	_ =	sdelay $0x1  }
0x2a: {  	v4 =	vld [tilespmem:s18+$0xFFFFFFD0]  }
0x2b: {  	v9 =	vshra.s32 v6, $0x1F  }
0x2c: {  	v10 =	vshra.s32 v3, $0x1F;
	v11 =	vshra.s32 v7, $0x1F;
	v13 =	vshra.s32 v12, $0x1F  }
0x2d: {  	v14 =	vshra.s32 v5, $0x1F;
	v17 =	vshra.s32 v8, $0x1F;
	v9 =	vor.u32 $0x80000000, v9  }
0x2e: {  	v11 =	vor.u32 $0x80000000, v11;
	v10 =	vor.u32 $0x80000000, v10;
	v16 =	vor.u32 $0x80000000, v13  }
0x2f: {  	v13 =	vor.u32 $0x80000000, v14;
	v15 =	vxor.u32 v3, v10;
	v10 =	vshra.s32 v4, $0x1F  }
0x30: {  	s19 =	simm.s32 $0x0;
	v14 =	vxor.u32 v7, v11;
	v11 =	vxor.u32 v6, v9;
	v12 =	vxor.u32 v12, v16  }
0x31: {  	s20 =	simm.s32 $0xC0;
	s21 =	simm.s32 $0x10040;
	v9 =	vld [tilespmem:s18+$0x0];
	s18 =	simm.s32 $0x18020;
	v3 =	vshrl.u32 v15, $0x14;
	v7 =	vshrl.u32 v14, $0x14;
	[tilespmem:s17+$0xFFFFFFE0] =	vst v15;
	v15 =	vor.u32 $0x80000000, v17  }
.LBB2_4:
0x32: {  	v16 =	vld [tilespmem:s20+$0xFFFFFFE0];
	s19 =	sadd.s32 $0x8, s19;
	[tilespmem:s17+$0xFFFFFFC0] =	vst v14;
	v5 =	vxor.u32 v5, v13;
	v6 =	vxor.u32 v8, v15;
	v8 =	vshrl.u32 v12, $0x14;
	s21 =	sadd.s32 $0x80, s21  }
0x33: {  	v17 =	vshrl.u32 v11, $0x14;
	v14 =	vld [tilespmem:s20+$0xFFFFFFC0];
	p0 =	slt.u32 s19, $0x7F8;
	[tilespmem:s17+$0xFFFFFFF0] =	vst v5;
	v13 =	vshrl.u32 v5, $0x14;
	v15 =	vshrl.u32 v6, $0x14  }
0x34: {  	v10 =	vor.u32 $0x80000000, v10;
	v5 =	vld [tilespmem:s20+$0xFFFFFFF0];
	[tilespmem:s17+$0x20] =	vst v11  }
0x35: {  	v10 =	vxor.u32 v4, v10;
	v11 =	vld [tilespmem:s20+$0x20];
	[tilespmem:s17+$0x30] =	vst v12  }
0x36: {  	v12 =	vld [tilespmem:s20+$0x30];
	v4 =	vshra.s32 v9, $0x1F;
	[tilespmem:s17+$0x10] =	vst v6  }
0x37: {  	v18 =	vshrl.u32 v10, $0x14;
	v4 =	vor.u32 $0x80000000, v4;
	[tilespmem:v8+s12+$0x0] =	vst.idx.add.s32.msk $0xffff, v1  }
0x38: {  	v6 =	vxor.u32 v9, v4;
	[tilespmem:v15+s12+$0x0] =	vst.idx.add.s32.msk $0xffff, v1  }
0x39: {  	v4 =	vld [tilespmem:s20+$0xFFFFFFD0];
	[tilespmem:s17+$0x0] =	vst v6;
	v9 =	vshrl.u32 v6, $0x14  }
0x3a: {  	[tilespmem:v17+s12+$0x0] =	vst.idx.add.s32.msk $0xffff, v1  }
0x3b: {  	v15 =	vshra.s32 v16, $0x1F;
	v6 =	vshra.s32 v11, $0x1F;
	v8 =	vld [tilespmem:s20+$0x10];
	[tilespmem:s17+$0xFFFFFFD0] =	vst v10;
	s17 =	smov.u32 s21  }
0x3c: {  	v10 =	vshra.s32 v14, $0x1F;
	v17 =	vor.u32 $0x80000000, v6;
	v6 =	vimm.s32 $0x0;
	[tilespmem:v18+s12+$0x0] =	vst.idx.add.s32.msk $0xffff, v1  }
.Ltmp1:
0x3d: {  	v18 =	vor.u32 $0x80000000, v10;
	v10 =	vor.u32 $0x80000000, v15;
	v15 =	vshra.s32 v12, $0x1F;
	[tilespmem:v7+s12+$0x0] =	vst.idx.add.s32.msk $0xffff, v1;
	(pc) =	sbr.rel @p0 .LBB2_4-.Ltmp1, $4  }
0x3e: {  	v16 =	vxor.u32 v16, v10;
	v7 =	vshra.s32 v5, $0x1F;
	v19 =	vor.u32 $0x80000000, v15;
	[tilespmem:v13+s12+$0x0] =	vst.idx.add.s32.msk $0xffff, v1  }
0x3f: {  	v10 =	vshra.s32 v4, $0x1F;
	v20 =	vshrl.u32 v16, $0x14;
	v13 =	vor.u32 $0x80000000, v7;
	[tilespmem:v9+s12+$0x0] =	vst.idx.add.s32.msk $0xffff, v1  }
0x40: {  	v11 =	vxor.u32 v11, v17;
	v14 =	vxor.u32 v14, v18;
	v15 =	vshra.s32 v8, $0x1F;
	[tilespmem:v3+s12+$0x0] =	vst.idx.add.s32.msk $0xffff, v1  }
0x41: {  	v7 =	vshrl.u32 v14, $0x14;
	v12 =	vxor.u32 v12, v19;
	v3 =	vmovc v20;
	[tilespmem:s21+$0xFFFFFFE0] =	vst v16;
	v9 =	vld [tilespmem:s20+$0x0];
	v15 =	vor.u32 $0x80000000, v15;
	s20 =	sadd.s32 $0x80, s20  }
0x42: {  	_ = 	snop  }
0x43: {  	[tilespmem:s17+$0xFFFFFFC0] =	vst v14  }
0x44: {  	[tilespmem:s17+$0x20] =	vst v11  }
0x45: {  	[tilespmem:s17+$0x30] =	vst v12  }
0x46: {  	v5 =	vxor.u32 v5, v13;
	v60 =	vshrl.u32 v12, $0x14;
	[tilespmem:v3+s12+$0x0] =	vst.idx.add.s32.msk $0xffff, v1  }
0x47: {  	v8 =	vxor.u32 v8, v15;
	[tilespmem:s17+$0xFFFFFFF0] =	vst v5  }
0x48: {  	v11 =	vshrl.u32 v11, $0x14;
	v10 =	vor.u32 $0x80000000, v10;
	[tilespmem:s17+$0x10] =	vst v8  }
0x49: {  	v61 =	vshrl.u32 v8, $0x14;
	v4 =	vxor.u32 v4, v10;
	[tilespmem:v7+s12+$0x0] =	vst.idx.add.s32.msk $0xffff, v1;
	v10 =	vshra.s32 v9, $0x1F  }
0x4a: {  	v5 =	vshrl.u32 v5, $0x14;
	[tilespmem:s17+$0xFFFFFFD0] =	vst v4;
	v10 =	vor.u32 $0x80000000, v10  }
0x4b: {  	v8 =	vshrl.u32 v4, $0x14;
	[tilespmem:v60+s12+$0x0] =	vst.idx.add.s32.msk $0xffff, v1;
	v9 =	vxor.u32 v9, v10  }
0x4c: {  	[tilespmem:s17+$0x0] =	vst v9;
	v9 =	vshrl.u32 v9, $0x14  }
0x4d: {  	[tilespmem:v11+s12+$0x0] =	vst.idx.add.s32.msk $0xffff, v1  }
0x4e: {  	[tilespmem:v61+s12+$0x0] =	vst.idx.add.s32.msk $0xffff, v1  }
0x4f: {  	[tilespmem:v5+s12+$0x0] =	vst.idx.add.s32.msk $0xffff, v1  }
0x50: {  	[tilespmem:v8+s12+$0x0] =	vst.idx.add.s32.msk $0xffff, v1  }
0x51: {  	[tilespmem:v9+s12+$0x0] =	vst.idx.add.s32.msk $0xffff, v1  }
0x52: {  	v3 =	vld [tilespmem:s18+$0xFFFFFFE0]  }
0x53: {  	v4 =	vld [tilespmem:s18+$0xFFFFFFF0];
	_ =	sdelay $0x3  }
0x54: {  	v5 =	vld [tilespmem:s18+$0x0];
	(xrf0) =	vadd.scan.msk.s32 $0xffff, v3  }
0x55: {  	(xrf0) =	vadd.scan.msk.s32 $0xffff, v4;
	_ =	sdelay $0x2  }
0x56: {  	v3 =	vld [tilespmem:s18+$0x10]  }
0x57: {  	(xrf0) =	vadd.scan.msk.s32 $0xffff, v5  }
0x58: {  	s31 =	simm.s32 $0x18060;
	v4, _, _ =	vpop (xrf0)  }
0x59: {  	v5 =	vld [tilespmem:s31+$0xFFFFFFE0];
	v7 =	vbroadcast v4, $0xF;
	v8, _, _ =	vpop (xrf0)  }
0x5a: {  	v9 =	vbroadcast v8, $0xF  }
0x5b: {  	(xrf0) =	vadd.scan.msk.s32 $0xffff, v3;
	v3 =	vadd.s32 v6, v7  }
0x5c: {  	v4 =	vadd.s32 v6, v4;
	v8 =	vadd.s32 v3, v8;
	v3 =	vadd.s32 v3, v9;
	v9 =	vld [tilespmem:s31+$0xFFFFFFF0]  }
0x5d: {  	vm0 =	vlt.s32 v4, $0x7334;
	v7, _, _ =	vpop (xrf0)  }
0x5e: {  	v10 =	vld [tilespmem:s31+$0x0];
	v4 =	vnsel vm0, $0x0, v4;
	(xrf0) =	vadd.scan.msk.s32 $0xffff, v5;
	v5 =	vbroadcast v7, $0xF;
	v7 =	vadd.s32 v3, v7  }
0x5f: {  	vm1 =	vgt.s32 v6, v4;
	vm2 =	vlt.s32 v8, $0x7334  }
0x60: {  	v4 =	vsel vm1, v6, v4;
	v8 =	vnsel vm2, $0x0, v8;
	vm1 =	vlt.s32 v7, $0x7334  }
0x61: {  	v11 =	vmpcnt.ones.xlane vm0;
	vm0 =	vgt.s32 v4, v8;
	v63 =	vnsel vm1, $0x0, v7;
	v7, _, _ =	vpop (xrf0);
	(xrf0) =	vadd.scan.msk.s32 $0xffff, v9  }
0x62: {  	v62 =	vmpcnt.ones.xlane vm2;
	v4 =	vsel vm0, v4, v8  }
0x63: {  	v8 =	vadd.s32 v6, v11;
	v6 =	vadd.s32 v3, v5;
	v3 =	vld [tilespmem:s31+$0x10];
	vm0 =	vgt.s32 v4, v63;
	(xrf0) =	vadd.scan.msk.s32 $0xffff, v10  }
0x64: {  	v5 =	vadd.s32 v62, v8;
	v8 =	vadd.s32 v6, v7;
	v9 =	vbroadcast v7, $0xF  }
0x65: {  	s17 =	simm.s32 $0x4;
	s18 =	simm.s32 $0x180A0;
	v10 =	vmpcnt.ones.xlane vm1;
	v4 =	vsel vm0, v4, v63;
	v7, _, _ =	vpop (xrf0);
	vm0 =	vlt.s32 v8, $0x7334  }
.LBB2_6:
0x66: {  	v11 =	vld [tilespmem:s18+$0xFFFFFFE0];
	s17 =	sadd.s32 $0x4, s17;
	v12 =	vmpcnt.ones.xlane vm0;
	v8 =	vnsel vm0, $0x0, v8;
	v6 =	vadd.s32 v6, v9  }
0x67: {  	v9 =	vbroadcast v7, $0xF;
	p0 =	slt.u32 s17, $0xFC;
	v13, _, _ =	vpop (xrf0);
	v5 =	vadd.s32 v10, v5;
	vm0 =	vgt.s32 v4, v8  }
0x68: {  	v7 =	vadd.s32 v6, v7;
	v10 =	vld [tilespmem:s18+$0xFFFFFFF0];
	v14 =	vbroadcast v13, $0xF;
	(xrf0) =	vadd.scan.msk.s32 $0xffff, v3;
	v5 =	vadd.s32 v12, v5  }
0x69: {  	vm1 =	vlt.s32 v7, $0x7334;
	v3 =	vadd.s32 v6, v9;
	v4 =	vsel vm0, v4, v8;
	v6, _, _ =	vpop (xrf0)  }
0x6a: {  	v7 =	vnsel vm1, $0x0, v7;
	v9 =	vadd.s32 v3, v13;
	v8 =	vld [tilespmem:s18+$0x0];
	v12 =	vadd.s32 v3, v14  }
0x6b: {  	vm0 =	vgt.s32 v4, v7;
	vm2 =	vlt.s32 v9, $0x7334;
	(xrf0) =	vadd.scan.msk.s32 $0xffff, v11;
	v11 =	vbroadcast v6, $0xF  }
0x6c: {  	v3 =	vsel vm0, v4, v7;
	v4 =	vnsel vm2, $0x0, v9;
	v6 =	vadd.s32 v12, v6  }
.Ltmp2:
0x6d: {  	v7 =	vmpcnt.ones.xlane vm1;
	vm0 =	vgt.s32 v3, v4;
	vm1 =	vlt.s32 v6, $0x7334;
	(xrf0) =	vadd.scan.msk.s32 $0xffff, v10;
	(pc) =	sbr.rel @p0 .LBB2_6-.Ltmp2, $4  }
0x6e: {  	v9 =	vmpcnt.ones.xlane vm2;
	v4 =	vsel vm0, v3, v4;
	v13 =	vnsel vm1, $0x0, v6;
	v10, _, _ =	vpop (xrf0)  }
0x6f: {  	v5 =	vadd.s32 v5, v7;
	v6 =	vadd.s32 v12, v11;
	vm0 =	vgt.s32 v4, v13;
	v3 =	vld [tilespmem:s18+$0x10];
	(xrf0) =	vadd.scan.msk.s32 $0xffff, v8  }
0x70: {  	v5 =	vadd.s32 v9, v5;
	v8 =	vadd.s32 v6, v10;
	v9 =	vbroadcast v10, $0xF  }
0x71: {  	s18 =	sadd.s32 $0x40, s18;
	v10 =	vmpcnt.ones.xlane vm1;
	v4 =	vsel vm0, v4, v13;
	vm0 =	vlt.s32 v8, $0x7334;
	v7, _, _ =	vpop (xrf0)  }
0x72: {  	v11 =	vmpcnt.ones.xlane vm0;
	v8 =	vnsel vm0, $0x0, v8  }
0x73: {  	v6 =	vadd.s32 v6, v9;
	v58 =	vbroadcast v7, $0xF;
	v12, _, _ =	vpop (xrf0);
	v5 =	vadd.s32 v10, v5  }
0x74: {  	vm0 =	vgt.s32 v4, v8;
	v7 =	vadd.s32 v6, v7;
	v59 =	vbroadcast v12, $0xF  }
0x75: {  	(xrf0) =	vadd.scan.msk.s32 $0xffff, v3;
	v3 =	vadd.s32 v11, v5;
	vm1 =	vlt.s32 v7, $0x7334;
	v5 =	vadd.s32 v6, v58  }
0x76: {  	v4 =	vsel vm0, v4, v8;
	v6 =	vnsel vm1, $0x0, v7;
	v60 =	vadd.s32 v5, v12  }
0x77: {  	v62 =	vmpcnt.ones.xlane vm1;
	v7, _, _ =	vpop (xrf0);
	v5 =	vadd.s32 v5, v59;
	vm0 =	vgt.s32 v4, v6  }
0x78: {  	vm2 =	vlt.s32 v60, $0x7334;
	v61 =	vbroadcast v7, $0xF;
	v7 =	vadd.s32 v5, v7  }
0x79: {  	s17 =	simm.s32 $0x18040;
	v4 =	vsel vm0, v4, v6;
	v6 =	vnsel vm2, $0x0, v60;
	v63 =	vmpcnt.ones.xlane vm2  }
0x7a: {  	[tilespmem:s17+$0xFFFFFFC0] =	vst v0;
	v3 =	vadd.s32 v3, v62;
	vm0 =	vgt.s32 v4, v6;
	vm14 =	vlt.s32 v7, $0x7334  }
0x7b: {  	[tilespmem:s17+$0x30] =	vst v0;
	v4 =	vsel vm0, v4, v6;
	v6 =	vnsel vm14, $0x0, v7;
	v5 =	vadd.s32 v5, v61;
	v7, _, _ =	vpop (xrf0)  }
0x7c: {  	[tilespmem:s17+$0x20] =	vst v0;
	v3 =	vadd.s32 v63, v3;
	v5 =	vadd.s32 v5, v7  }
0x7d: {  	[tilespmem:s17+$0x10] =	vst v0;
	vm0 =	vgt.s32 v4, v6;
	v7 =	vmpcnt.ones.xlane vm14;
	vm15 =	vlt.s32 v5, $0x7334  }
0x7e: {  	[tilespmem:s17+$0x0] =	vst v0;
	v4 =	vsel vm0, v4, v6;
	v6 =	vmpcnt.ones.xlane vm15;
	v5 =	vnsel vm15, $0x0, v5  }
0x7f: {  	[tilespmem:s17+$0xFFFFFFF0] =	vst v0;
	v3 =	vadd.s32 v7, v3;
	vm0 =	vgt.s32 v4, v5  }
0x80: {  	s18 =	simm.s32 $0x0;
	[tilespmem:s17+$0xFFFFFFE0] =	vst v0;
	v3 =	vadd.s32 v6, v3;
	v4 =	vsel vm0, v4, v5  }
.LBB2_8:
0x81: {  	s18 =	sadd.s32 $0x8, s18;
	[tilespmem:s17+$0xFFFFFFD0] =	vst v0;
	s17 =	sadd.s32 $0x80, s17  }
0x82: {  	[tilespmem:s17+$0xFFFFFFC0] =	vst v0;
	p0 =	slt.u32 s18, $0xF8  }
0x83: {  	[tilespmem:s17+$0x30] =	vst v0  }
.Ltmp3:
0x84: {  	[tilespmem:s17+$0x20] =	vst v0;
	(pc) =	sbr.rel @p0 .LBB2_8-.Ltmp3, $4  }
0x85: {  	[tilespmem:s17+$0x10] =	vst v0  }
0x86: {  	[tilespmem:s17+$0x0] =	vst v0  }
0x87: {  	[tilespmem:s17+$0xFFFFFFF0] =	vst v0  }
0x88: {  	[tilespmem:s17+$0xFFFFFFE0] =	vst v0  }
0x89: {  	[tilespmem:s17+$0xFFFFFFD0] =	vst v0;
	s31 =	simm.s32 $0x10040  }
0x8a: {  	v5 =	vld [tilespmem:s31+$0xFFFFFFC0]  }
0x8b: {  	v6 =	vld [tilespmem:s31+$0xFFFFFFE0];
	_ =	sdelay $0x2  }
0x8c: {  	v9 =	vld [tilespmem:s31+$0xFFFFFFF0]  }
0x8d: {  	v11 =	vld [tilespmem:s31+$0x20];
	v7 =	vshrl.u32 v5, $0x14  }
0x8e: {  	v5 =	vshrl.u32 v5, $0x8;
	v8 =	vshrl.u32 v6, $0x14;
	vm3 =	veq.s32 v7, v3  }
0x8f: {  	v13 =	vld [tilespmem:s31+$0x30];
	v6 =	vshrl.u32 v6, $0x8;
	v12 =	vand.u32 $0xFFF, v5;
	vm2 =	veq.s32 v8, v3  }
0x90: {  	v5 =	vld [tilespmem:s31+$0xFFFFFFD0];
	v8 =	vand.u32 $0xFFF, v6;
	_ =	sdelay $0x1  }
0x91: {  	v14 =	vshrl.u32 v11, $0x14;
	v7 =	vshrl.u32 v9, $0x8;
	v6 =	vshrl.u32 v9, $0x14;
	v9 =	vld [tilespmem:s31+$0x10]  }
0x92: {  	v10 =	vld [tilespmem:s31+$0x0];
	vm1 =	veq.s32 v14, v3;
	vm0 =	veq.s32 v6, v3;
	v6 =	vshrl.u32 v11, $0x8  }
0x93: {  	s17 =	simm.s32 $0x0;
	s18 =	simm.s32 $0x100C0;
	v11 =	vshrl.u32 v13, $0x8;
	v6 =	vand.u32 $0xFFF, v6;
	[tilespmem:v12+s12+$0x0] =	vst.idx.add.s32.msk vm3, v1;
	v12 =	vshrl.u32 v13, $0x14  }
.LBB2_10:
0x94: {  	s17 =	sadd.s32 $0x8, s17;
	v13 =	vshrl.u32 v5, $0x14;
	[tilespmem:v8+s12+$0x0] =	vst.idx.add.s32.msk vm2, v1;
	vm3 =	veq.s32 v12, v3  }
0x95: {  	v5 =	vshrl.u32 v5, $0x8;
	v8 =	vand.u32 $0xFFF, v7;
	v12 =	vld [tilespmem:s18+$0xFFFFFFF0];
	p0 =	slt.u32 s17, $0x7F8;
	vm4 =	veq.s32 v13, v3  }
0x96: {  	v11 =	vand.u32 $0xFFF, v11;
	v14 =	vand.u32 $0xFFF, v5;
	v13 =	vld [tilespmem:s18+$0xFFFFFFE0];
	v5 =	vshrl.u32 v9, $0x14  }
0x97: {  	v15 =	vld [tilespmem:s18+$0xFFFFFFC0];
	v7 =	vshrl.u32 v10, $0x14;
	vm5 =	veq.s32 v5, v3;
	v5 =	vshrl.u32 v9, $0x8  }
0x98: {  	v16 =	vld [tilespmem:s18+$0x30];
	vm6 =	veq.s32 v7, v3;
	v7 =	vshrl.u32 v10, $0x8;
	v9 =	vand.u32 $0xFFF, v5  }
0x99: {  	v17 =	vld [tilespmem:s18+$0x20];
	v10 =	vand.u32 $0xFFF, v7  }
0x9a: {  	v5 =	vld [tilespmem:s18+$0xFFFFFFD0];
	v7 =	vshrl.u32 v12, $0x8  }
0x9b: {  	[tilespmem:v8+s12+$0x0] =	vst.idx.add.s32.msk vm0, v1  }
0x9c: {  	v18 =	vshrl.u32 v13, $0x14;
	v13 =	vshrl.u32 v13, $0x8;
	v8 =	vshrl.u32 v15, $0x14;
	[tilespmem:v6+s12+$0x0] =	vst.idx.add.s32.msk vm1, v1  }
0x9d: {  	v6 =	vshrl.u32 v15, $0x8;
	vm2 =	veq.s32 v18, v3;
	vm7 =	veq.s32 v8, v3;
	[tilespmem:v9+s12+$0x0] =	vst.idx.add.s32.msk vm5, v1  }
0x9e: {  	v6 =	vand.u32 $0xFFF, v6;
	v8 =	vand.u32 $0xFFF, v13;
	[tilespmem:v10+s12+$0x0] =	vst.idx.add.s32.msk vm6, v1  }
.Ltmp4:
0x9f: {  	v9 =	vshrl.u32 v12, $0x14;
	[tilespmem:v11+s12+$0x0] =	vst.idx.add.s32.msk vm3, v1;
	(pc) =	sbr.rel @p0 .LBB2_10-.Ltmp4, $4  }
0xa0: {  	vm0 =	veq.s32 v9, v3;
	[tilespmem:v14+s12+$0x0] =	vst.idx.add.s32.msk vm4, v1  }
0xa1: {  	v11 =	vshrl.u32 v17, $0x14;
	v9 =	vld [tilespmem:s18+$0x10]  }
0xa2: {  	vm1 =	veq.s32 v11, v3;
	v11 =	vshrl.u32 v17, $0x8;
	v10 =	vld [tilespmem:s18+$0x0]  }
0xa3: {  	v12 =	vshrl.u32 v16, $0x14;
	s18 =	sadd.s32 $0x80, s18;
	[tilespmem:v6+s12+$0x0] =	vst.idx.add.s32.msk vm7, v1;
	v6 =	vand.u32 $0xFFF, v11;
	v11 =	vshrl.u32 v16, $0x8  }
0xa4: {  	_ =	sdelay $0x2  }
0xa5: {  	v4 =	vxor.u32 $0x80000000, v4  }
0xa6: {  	(xrf0) =	vmax.scan.msk.u32 $0xffff, v4  }
0xa7: {  	v7 =	vand.u32 $0xFFF, v7;
	vm5 =	veq.s32 v12, v3;
	[tilespmem:v8+s12+$0x0] =	vst.idx.add.s32.msk vm2, v1;
	v8 =	vand.u32 $0xFFF, v11  }
0xa8: {  	v4 =	vshrl.u32 v5, $0x14;
	v5 =	vshrl.u32 v5, $0x8;
	v13 =	vshrl.u32 v9, $0x14  }
0xa9: {  	vm6 =	veq.s32 v4, v3;
	v14 =	vshrl.u32 v10, $0x14;
	v10 =	vshrl.u32 v10, $0x8  }
0xaa: {  	v9 =	vshrl.u32 v9, $0x8;
	v5 =	vand.u32 $0xFFF, v5;
	vm3 =	veq.s32 v13, v3  }
0xab: {  	v9 =	vand.u32 $0xFFF, v9;
	vm4 =	veq.s32 v14, v3  }
0xac: {  	[tilespmem:v6+s12+$0x0] =	vst.idx.add.s32.msk vm1, v1;
	v4 =	vand.u32 $0xFFF, v10;
	v10, _, _ =	vpop (xrf0)  }
0xad: {  	[tilespmem:v7+s12+$0x0] =	vst.idx.add.s32.msk vm0, v1;
	(v2sf) =	vpush v10, $0xF  }
0xae: {  	[tilespmem:v8+s12+$0x0] =	vst.idx.add.s32.msk vm5, v1  }
0xaf: {  	[tilespmem:v5+s12+$0x0] =	vst.idx.add.s32.msk vm6, v1  }
0xb0: {  	[tilespmem:v9+s12+$0x0] =	vst.idx.add.s32.msk vm3, v1  }
0xb1: {  	s17 =	simm.s32 $0x18020;
	[tilespmem:v4+s12+$0x0] =	vst.idx.add.s32.msk vm4, v1  }
0xb2: {  	v4 =	vld [tilespmem:s17+$0xFFFFFFE0];
	_ =	sdelay $0x1  }
0xb3: {  	v5 =	vld [tilespmem:s17+$0xFFFFFFF0];
	_ =	sdelay $0x2  }
0xb4: {  	v6 =	vld [tilespmem:s17+$0x0];
	(xrf0) =	vadd.scan.msk.s32 $0xffff, v4;
	_ =	sdelay $0x1  }
0xb5: {  	(xrf0) =	vadd.scan.msk.s32 $0xffff, v5;
	_ =	sdelay $0x2  }
0xb6: {  	v7 =	vld [tilespmem:s17+$0x10];
	(xrf0) =	vadd.scan.msk.s32 $0xffff, v6;
	s18 =	spop (v2sf)  }
0xb7: {  	s31 =	simm.s32 $0x18060;
	v6, _, _ =	vpop (xrf0);
	s18 =	sxor.u32 $0x80000000, s18  }
0xb8: {  	v8 =	vld [tilespmem:s31+$0xFFFFFFE0];
	v10 =	vbroadcast v6, $0xF;
	v4 =	vmov s18  }
0xb9: {  	v11, _, _ =	vpop (xrf0);
	v4 =	vsub.s32 $0x7334, v4  }
0xba: {  	v9 =	vimm.s32 $0x0;
	v12 =	vbroadcast v11, $0xF;
	v5 =	vbroadcast v4, $0x0  }
0xbb: {  	v6 =	vadd.s32 v9, v6;
	(xrf0) =	vadd.scan.msk.s32 $0xffff, v7;
	v7 =	vadd.s32 v9, v10  }
0xbc: {  	v11 =	vadd.s32 v7, v11;
	v7 =	vadd.s32 v7, v12;
	v12 =	vld [tilespmem:s31+$0xFFFFFFF0];
	v10, _, _ =	vpop (xrf0);
	vm0 =	vlt.s32 v6, v5  }
0xbd: {  	(xrf0) =	vadd.scan.msk.s32 $0xffff, v8;
	v8 =	vbroadcast v10, $0xF;
	v6 =	vnsel vm0, $0x0, v6  }
0xbe: {  	v13 =	vld [tilespmem:s31+$0x0];
	v10 =	vadd.s32 v7, v10;
	vm2 =	vlt.s32 v11, v5;
	vm1 =	vgt.s32 v9, v6  }
0xbf: {  	v11 =	vnsel vm2, $0x0, v11;
	v6 =	vsel vm1, v9, v6  }
0xc0: {  	v14 =	vmpcnt.ones.xlane vm0;
	vm1 =	vlt.s32 v10, v5;
	vm0 =	vgt.s32 v6, v11  }
0xc1: {  	v16 =	vnsel vm1, $0x0, v10;
	v10, _, _ =	vpop (xrf0);
	(xrf0) =	vadd.scan.msk.s32 $0xffff, v12;
	v15 =	vsel vm0, v6, v11;
	v6 =	vmpcnt.ones.xlane vm2  }
0xc2: {  	v11 =	vadd.s32 v9, v14  }
0xc3: {  	v9 =	vadd.s32 v7, v8;
	(xrf0) =	vadd.scan.msk.s32 $0xffff, v13;
	v8 =	vadd.s32 v6, v11;
	v6 =	vld [tilespmem:s31+$0x10]  }
0xc4: {  	v12 =	vbroadcast v10, $0xF;
	vm0 =	vgt.s32 v15, v16;
	v11 =	vadd.s32 v9, v10  }
0xc5: {  	s17 =	simm.s32 $0x4;
	s18 =	simm.s32 $0x180A0;
	v13 =	vmpcnt.ones.xlane vm1;
	v10, _, _ =	vpop (xrf0);
	v7 =	vsel vm0, v15, v16;
	vm0 =	vlt.s32 v11, v5  }
.LBB2_12:
0xc6: {  	v14 =	vld [tilespmem:s18+$0xFFFFFFE0];
	s17 =	sadd.s32 $0x4, s17;
	v15 =	vmpcnt.ones.xlane vm0;
	v11 =	vnsel vm0, $0x0, v11;
	v9 =	vadd.s32 v9, v12;
	p0 =	por $0x1, $0x1  }
0xc7: {  	v12 =	vbroadcast v10, $0xF;
	p1 =	slt.u32 s17, $0xFC;
	v16, _, _ =	vpop (xrf0);
	v8 =	vadd.s32 v13, v8;
	vm0 =	vgt.s32 v7, v11  }
0xc8: {  	v10 =	vadd.s32 v9, v10;
	v13 =	vld [tilespmem:s18+$0xFFFFFFF0];
	v17 =	vbroadcast v16, $0xF;
	(xrf0) =	vadd.scan.msk.s32 $0xffff, v6;
	v8 =	vadd.s32 v15, v8  }
0xc9: {  	vm1 =	vlt.s32 v10, v5;
	v6 =	vadd.s32 v9, v12;
	v7 =	vsel vm0, v7, v11;
	v9, _, _ =	vpop (xrf0)  }
0xca: {  	v10 =	vnsel vm1, $0x0, v10;
	v12 =	vadd.s32 v6, v16;
	v11 =	vld [tilespmem:s18+$0x0];
	v15 =	vadd.s32 v6, v17  }
0xcb: {  	vm0 =	vgt.s32 v7, v10;
	vm2 =	vlt.s32 v12, v5;
	(xrf0) =	vadd.scan.msk.s32 $0xffff, v14;
	v14 =	vbroadcast v9, $0xF  }
0xcc: {  	v6 =	vsel vm0, v7, v10;
	v7 =	vnsel vm2, $0x0, v12;
	v9 =	vadd.s32 v15, v9  }
.Ltmp5:
0xcd: {  	v10 =	vmpcnt.ones.xlane vm1;
	vm0 =	vgt.s32 v6, v7;
	vm1 =	vlt.s32 v9, v5;
	(xrf0) =	vadd.scan.msk.s32 $0xffff, v13;
	(pc) =	sbr.rel @p1 .LBB2_12-.Ltmp5, $4  }
0xce: {  	v12 =	vmpcnt.ones.xlane vm2;
	v7 =	vsel vm0, v6, v7;
	v16 =	vnsel vm1, $0x0, v9;
	v13, _, _ =	vpop (xrf0)  }
0xcf: {  	v8 =	vadd.s32 v8, v10;
	v9 =	vadd.s32 v15, v14;
	vm0 =	vgt.s32 v7, v16;
	v6 =	vld [tilespmem:s18+$0x10];
	(xrf0) =	vadd.scan.msk.s32 $0xffff, v11  }
0xd0: {  	v8 =	vadd.s32 v12, v8;
	v11 =	vadd.s32 v9, v13;
	v12 =	vbroadcast v13, $0xF  }
0xd1: {  	s18 =	sadd.s32 $0x40, s18;
	v13 =	vmpcnt.ones.xlane vm1;
	v7 =	vsel vm0, v7, v16;
	vm0 =	vlt.s32 v11, v5;
	v10, _, _ =	vpop (xrf0)  }
0xd2: {  	v14 =	vmpcnt.ones.xlane vm0  }
0xd3: {  	v11 =	vnsel vm0, $0x0, v11;
	v9 =	vadd.s32 v9, v12;
	v51 =	vbroadcast v10, $0xF  }
0xd4: {  	v15, _, _ =	vpop (xrf0);
	v8 =	vadd.s32 v13, v8;
	vm0 =	vgt.s32 v7, v11;
	v52 =	vadd.s32 v9, v10  }
0xd5: {  	v53 =	vbroadcast v15, $0xF;
	(xrf0) =	vadd.scan.msk.s32 $0xffff, v6;
	v6 =	vadd.s32 v14, v8;
	vm1 =	vlt.s32 v52, v5  }
0xd6: {  	v8 =	vadd.s32 v9, v51;
	v7 =	vsel vm0, v7, v11;
	v54 =	vnsel vm1, $0x0, v52  }
0xd7: {  	v55, _, _ =	vpop (xrf0);
	v56 =	vadd.s32 v8, v15;
	v59 =	vmpcnt.ones.xlane vm1;
	v8 =	vadd.s32 v8, v53  }
0xd8: {  	vm0 =	vgt.s32 v7, v54;
	vm2 =	vlt.s32 v56, v5;
	v57 =	vbroadcast v55, $0xF  }
0xd9: {  	v7 =	vsel vm0, v7, v54;
	v58 =	vnsel vm2, $0x0, v56;
	v10 =	vadd.s32 v8, v55  }
0xda: {  	v60 =	vmpcnt.ones.xlane vm2;
	v6 =	vadd.s32 v6, v59;
	vm0 =	vgt.s32 v7, v58  }
0xdb: {  	vm14 =	vlt.s32 v10, v5;
	v8 =	vadd.s32 v8, v57;
	v7 =	vsel vm0, v7, v58;
	v62, _, _ =	vpop (xrf0)  }
0xdc: {  	v61 =	vnsel vm14, $0x0, v10;
	v6 =	vadd.s32 v60, v6;
	v8 =	vadd.s32 v8, v62  }
0xdd: {  	v63 =	vmpcnt.ones.xlane vm14;
	vm0 =	vgt.s32 v7, v61;
	vm15 =	vlt.s32 v8, v5  }
0xde: {  	v7 =	vsel vm0, v7, v61;
	v5 =	vmpcnt.ones.xlane vm15;
	v8 =	vnsel vm15, $0x0, v8  }
0xdf: {  	v6 =	vadd.s32 v63, v6;
	vm0 =	vgt.s32 v7, v8  }
0xe0: {  	s17 =	simm.s32 $0x0;
	v5 =	vadd.s32 v5, v6;
	v6 =	vsel vm0, v7, v8  }
.LBB2_14:
0xe1: {  	s17 =	sshra.s32 s17, $0x2  }
0xe2: {  	[tilespmem:s17+$0x18000] =	vst v0  }
0xe3: {  	[tilespmem:s17+$0x18010] =	vst v0  }
0xe4: {  	p1 =	por p0, p0;
	[tilespmem:s17+$0x18020] =	vst v0  }
.Ltmp6:
0xe5: {  	[tilespmem:s17+$0x18030] =	vst v0;
	(pc) =	sbr.rel @p1 .LBB2_14-.Ltmp6, $4  }
0xe6: {  	[tilespmem:s17+$0x18040] =	vst v0  }
0xe7: {  	[tilespmem:s17+$0x18050] =	vst v0  }
0xe8: {  	[tilespmem:s17+$0x18060] =	vst v0  }
0xe9: {  	p0 =	por $0x0, $0x0;
	[tilespmem:s17+$0x18070] =	vst v0;
	s17 =	simm.s32 $0x200  }
0xea: {  	s17 =	simm.s32 $0x10040  }
0xeb: {  	v8 =	vld [tilespmem:s17+$0x30]  }
0xec: {  	v9 =	vld [tilespmem:s17+$0xFFFFFFD0]  }
0xed: {  	v10 =	vld [tilespmem:s17+$0xFFFFFFE0]  }
0xee: {  	v11 =	vld [tilespmem:s17+$0xFFFFFFF0]  }
0xef: {  	v7 =	vshll.u32 v3, $0xC  }
0xf0: {  	v7 =	vor.u32 v7, v5;
	v13 =	vld [tilespmem:s17+$0x0];
	v12 =	vshrl.u32 v8, $0x8  }
0xf1: {  	v16 =	vld [tilespmem:s17+$0x20];
	v14 =	vshrl.u32 v9, $0x8;
	vm1 =	veq.s32 v12, v7  }
0xf2: {  	v61 =	vld [tilespmem:s17+$0xFFFFFFC0];
	v60 =	vshrl.u32 v10, $0x8;
	v8 =	vand.u32 $0xFF, v8;
	vm2 =	veq.s32 v14, v7  }
0xf3: {  	v59 =	vld [tilespmem:s17+$0x10];
	v15 =	vand.u32 $0xFF, v9;
	v9 =	vshrl.u32 v11, $0x8;
	vm3 =	veq.s32 v60, v7  }
0xf4: {  	v10 =	vand.u32 $0xFF, v10;
	vm4 =	veq.s32 v9, v7  }
0xf5: {  	v17 =	vand.u32 $0xFF, v11;
	_ =	sdelay $0x1  }
0xf6: {  	v62 =	vshrl.u32 v16, $0x8;
	v63 =	vshrl.u32 v61, $0x8;
	v9 =	vshrl.u32 v13, $0x8;
	[tilespmem:v8+s12+$0x0] =	vst.idx.add.s32.msk vm1, v1  }
0xf7: {  	v11 =	vand.u32 $0xFF, v61;
	vm0 =	veq.s32 v9, v7;
	v9 =	vshrl.u32 v59, $0x8;
	[tilespmem:v15+s12+$0x0] =	vst.idx.add.s32.msk vm2, v1  }
0xf8: {  	v8 =	vand.u32 $0xFF, v13;
	vm1 =	veq.s32 v9, v7;
	v9 =	vand.u32 $0xFF, v59;
	[tilespmem:v10+s12+$0x0] =	vst.idx.add.s32.msk vm3, v1  }
0xf9: {  	s18 =	simm.s32 $0x100C0;
	s17 =	simm.s32 $0x0;
	vm2 =	veq.s32 v62, v7;
	vm3 =	veq.s32 v63, v7;
	v10 =	vand.u32 $0xFF, v16;
	[tilespmem:v17+s12+$0x0] =	vst.idx.add.s32.msk vm4, v1  }
.LBB2_16:
0xfa: {  	v12 =	vld [tilespmem:s18+$0x30];
	s17 =	sadd.s32 $0x8, s17  }
0xfb: {  	v13 =	vld [tilespmem:s18+$0xFFFFFFD0];
	p0 =	slt.u32 s17, $0x7F8  }
0xfc: {  	v14 =	vld [tilespmem:s18+$0xFFFFFFE0]  }
0xfd: {  	v15 =	vld [tilespmem:s18+$0xFFFFFFF0]  }
0xfe: {  	v16 =	vld [tilespmem:s18+$0x0]  }
0xff: {  	v17 =	vld [tilespmem:s18+$0x10];
	v18 =	vshrl.u32 v12, $0x8  }
0x100: {  	v19 =	vshrl.u32 v13, $0x8;
	v13 =	vand.u32 $0xFF, v13;
	v20 =	vld [tilespmem:s18+$0x20];
	vm4 =	veq.s32 v18, v7  }
0x101: {  	v12 =	vand.u32 $0xFF, v12;
	v18 =	vld [tilespmem:s18+$0xFFFFFFC0];
	vm5 =	veq.s32 v19, v7;
	v19 =	vshrl.u32 v14, $0x8  }
0x102: {  	v14 =	vand.u32 $0xFF, v14;
	vm6 =	veq.s32 v19, v7;
	v19 =	vshrl.u32 v15, $0x8;
	[tilespmem:v11+s12+$0x0] =	vst.idx.add.s32.msk vm3, v1  }
0x103: {  	v15 =	vand.u32 $0xFF, v15;
	vm7 =	veq.s32 v19, v7;
	v11 =	vshrl.u32 v16, $0x8;
	[tilespmem:v8+s12+$0x0] =	vst.idx.add.s32.msk vm0, v1  }
0x104: {  	v8 =	vand.u32 $0xFF, v16;
	vm0 =	veq.s32 v11, v7;
	v11 =	vshrl.u32 v17, $0x8;
	[tilespmem:v9+s12+$0x0] =	vst.idx.add.s32.msk vm1, v1  }
.Ltmp7:
0x105: {  	v9 =	vand.u32 $0xFF, v17;
	vm1 =	veq.s32 v11, v7;
	v16 =	vshrl.u32 v20, $0x8;
	[tilespmem:v10+s12+$0x0] =	vst.idx.add.s32.msk vm2, v1;
	(pc) =	sbr.rel @p0 .LBB2_16-.Ltmp7, $4  }
0x106: {  	v10 =	vshrl.u32 v18, $0x8;
	v11 =	vand.u32 $0xFF, v18;
	vm2 =	veq.s32 v16, v7;
	[tilespmem:v12+s12+$0x0] =	vst.idx.add.s32.msk vm4, v1  }
0x107: {  	vm3 =	veq.s32 v10, v7;
	[tilespmem:v13+s12+$0x0] =	vst.idx.add.s32.msk vm5, v1;
	v10 =	vand.u32 $0xFF, v20  }
0x108: {  	[tilespmem:v14+s12+$0x0] =	vst.idx.add.s32.msk vm6, v1  }
0x109: {  	s18 =	sadd.s32 $0x80, s18;
	[tilespmem:v15+s12+$0x0] =	vst.idx.add.s32.msk vm7, v1  }
0x10a: {  	v6 =	vxor.u32 $0x80000000, v6  }
0x10b: {  	(xrf0) =	vmax.scan.msk.u32 $0xffff, v6;
	_ =	sdelay $0x5  }
0x10c: {  	v6, _, _ =	vpop (xrf0)  }
0x10d: {  	(v2sf) =	vpush v6, $0xF;
	_ =	sdelay $0x2  }
0x10e: {  	[tilespmem:v11+s12+$0x0] =	vst.idx.add.s32.msk vm3, v1  }
0x10f: {  	[tilespmem:v8+s12+$0x0] =	vst.idx.add.s32.msk vm0, v1  }
0x110: {  	[tilespmem:v9+s12+$0x0] =	vst.idx.add.s32.msk vm1, v1  }
0x111: {  	[tilespmem:v10+s12+$0x0] =	vst.idx.add.s32.msk vm2, v1;
	s17 =	simm.s32 $0x18020  }
0x112: {  	v6 =	vld [tilespmem:s17+$0xFFFFFFE0];
	_ =	sdelay $0x1  }
0x113: {  	v7 =	vld [tilespmem:s17+$0xFFFFFFF0];
	_ =	sdelay $0x1  }
0x114: {  	v8 =	vld [tilespmem:s17+$0x0]  }
0x115: {  	(xrf0) =	vadd.scan.msk.s32 $0xffff, v6;
	v6 =	vld [tilespmem:s17+$0x10]  }
0x116: {  	s30 =	simm.s32 $0x18060  }
0x117: {  	(xrf0) =	vadd.scan.msk.s32 $0xffff, v7;
	v7 =	vld [tilespmem:s30+$0xFFFFFFE0]  }
0x118: {  	v9 =	vld [tilespmem:s30+$0xFFFFFFF0];
	s18 =	spop (v2sf)  }
0x119: {  	(xrf0) =	vadd.scan.msk.s32 $0xffff, v8;
	s18 =	sxor.u32 $0x80000000, s18  }
0x11a: {  	(xrf0) =	vadd.scan.msk.s32 $0xffff, v6;
	v8 =	vmov s18  }
0x11b: {  	v6 =	vld [tilespmem:s30+$0x0]  }
0x11c: {  	v10, _, _ =	vpop (xrf0);
	(xrf0) =	vadd.scan.msk.s32 $0xffff, v7  }
0x11d: {  	v13 =	vld [tilespmem:s30+$0x10];
	v7 =	vbroadcast v10, $0xF;
	v4 =	vsub.s32 v4, v8;
	v8, _, _ =	vpop (xrf0);
	(xrf0) =	vadd.scan.msk.s32 $0xffff, v9  }
0x11e: {  	s31 =	simm.s32 $0x180A0;
	v4 =	vbroadcast v4, $0x0;
	v9 =	vimm.s32 $0x0  }
0x11f: {  	v15 =	vld [tilespmem:s31+$0xFFFFFFE0];
	v11 =	vbroadcast v8, $0xF;
	v12, _, _ =	vpop (xrf0);
	v10 =	vadd.s32 v9, v10;
	v7 =	vadd.s32 v9, v7  }
0x120: {  	(xrf0) =	vadd.scan.msk.s32 $0xffff, v6;
	v14 =	vbroadcast v12, $0xF;
	vm13 =	vlt.s32 v10, v4;
	v6 =	vadd.s32 v7, v8;
	v10 =	vld [tilespmem:s31+$0xFFFFFFF0];
	v16, _, _ =	vpop (xrf0)  }
0x121: {  	v11 =	vadd.s32 v7, v11;
	v7 =	vmpcnt.ones.xlane vm13;
	v17 =	vbroadcast v16, $0xF  }
0x122: {  	v18, _, _ =	vpop (xrf0);
	vm14 =	vlt.s32 v6, v4;
	(xrf0) =	vadd.scan.msk.s32 $0xffff, v13;
	v14 =	vadd.s32 v11, v14;
	v6 =	vadd.s32 v11, v12  }
0x123: {  	v11 =	vbroadcast v18, $0xF;
	v8 =	vadd.s32 v9, v7;
	vm15 =	vlt.s32 v6, v4;
	v9 =	vld [tilespmem:s31+$0x0];
	v12, _, _ =	vpop (xrf0)  }
0x124: {  	(xrf0) =	vadd.scan.msk.s32 $0xffff, v15;
	v6 =	vadd.s32 v14, v17;
	v14 =	vadd.s32 v14, v16;
	v19 =	vbroadcast v12, $0xF  }
0x125: {  	v7 =	vmpcnt.ones.xlane vm15;
	v13 =	vadd.s32 v6, v18;
	v15 =	vadd.s32 v6, v11;
	v6 =	vld [tilespmem:s31+$0x10];
	(xrf0) =	vadd.scan.msk.s32 $0xffff, v10  }
0x126: {  	s17 =	simm.s32 $0x8;
	s18 =	simm.s32 $0x180E0;
	v11 =	vadd.s32 v15, v12;
	v12, _, _ =	vpop (xrf0);
	v10 =	vadd.s32 v15, v19;
	v15 =	vmpcnt.ones.xlane vm14  }
.LBB2_18:
0x127: {  	v16 =	vld [tilespmem:s18+$0xFFFFFFE0];
	s17 =	sadd.s32 $0x4, s17;
	vm0 =	vlt.s32 v13, v4;
	v13 =	vbroadcast v12, $0xF;
	vm1 =	vlt.s32 v14, v4  }
0x128: {  	v14 =	vld [tilespmem:s18+$0xFFFFFFF0];
	p0 =	slt.u32 s17, $0xC;
	(xrf0) =	vadd.scan.msk.s32 $0xffff, v9;
	v17 =	vmpcnt.ones.xlane vm0;
	v18, _, _ =	vpop (xrf0);
	v8 =	vadd.s32 v15, v8;
	v9 =	vmpcnt.ones.xlane vm1  }
0x129: {  	v15 =	vadd.s32 v10, v13;
	v13 =	vbroadcast v18, $0xF;
	v7 =	vadd.s32 v7, v8  }
.Ltmp8:
0x12a: {  	vm0 =	vlt.s32 v11, v4;
	v19, _, _ =	vpop (xrf0);
	(xrf0) =	vadd.scan.msk.s32 $0xffff, v6;
	v6 =	vadd.s32 v10, v12;
	v7 =	vadd.s32 v9, v7;
	(pc) =	sbr.rel @p0 .LBB2_18-.Ltmp8, $4  }
0x12b: {  	v9 =	vld [tilespmem:s18+$0x0];
	v10 =	vbroadcast v19, $0xF;
	v11, _, _ =	vpop (xrf0);
	v8 =	vadd.s32 v7, v17;
	vm1 =	vlt.s32 v6, v4  }
0x12c: {  	(xrf0) =	vadd.scan.msk.s32 $0xffff, v16;
	v17 =	vbroadcast v11, $0xF;
	v7 =	vmpcnt.ones.xlane vm1;
	v16 =	vadd.s32 v15, v13  }
0x12d: {  	v6 =	vld [tilespmem:s18+$0x10];
	(xrf0) =	vadd.scan.msk.s32 $0xffff, v14;
	v13 =	vadd.s32 v16, v19;
	v10 =	vadd.s32 v16, v10;
	v14 =	vadd.s32 v15, v18  }
0x12e: {  	s18 =	sadd.s32 $0x40, s18;
	v15 =	vmpcnt.ones.xlane vm0;
	v11 =	vadd.s32 v10, v11;
	v10 =	vadd.s32 v10, v17;
	v12, _, _ =	vpop (xrf0)  }
0x12f: {  	v16 =	vbroadcast v12, $0xF;
	vm0 =	vlt.s32 v14, v4  }
0x130: {  	vm1 =	vlt.s32 v13, v4;
	(xrf0) =	vadd.scan.msk.s32 $0xffff, v9;
	v8 =	vadd.s32 v15, v8;
	v9 =	vmpcnt.ones.xlane vm0  }
0x131: {  	v13 =	vmpcnt.ones.xlane vm1;
	v58, _, _ =	vpop (xrf0);
	vm0 =	vlt.s32 v11, v4;
	v59 =	vadd.s32 v10, v16  }
0x132: {  	v7 =	vadd.s32 v7, v8;
	v8 =	vbroadcast v58, $0xF;
	v63 =	vmpcnt.ones.xlane vm0;
	v60, _, _ =	vpop (xrf0)  }
0x133: {  	v7 =	vadd.s32 v9, v7;
	v9 =	vadd.s32 v10, v12;
	v10 =	vbroadcast v60, $0xF  }
0x134: {  	(xrf0) =	vadd.scan.msk.s32 $0xffff, v6;
	v11, _, _ =	vpop (xrf0);
	v7 =	vadd.s32 v7, v13;
	vm1 =	vlt.s32 v9, v4;
	v8 =	vadd.s32 v59, v8  }
0x135: {  	v6 =	vbroadcast v11, $0xF;
	v9 =	vmpcnt.ones.xlane vm1;
	v61 =	vadd.s32 v8, v60  }
0x136: {  	v7 =	vadd.s32 v63, v7;
	v8 =	vadd.s32 v8, v10;
	v10 =	vadd.s32 v59, v58  }
0x137: {  	vm1 =	vlt.s32 v61, v4;
	v11 =	vadd.s32 v8, v11;
	v62, _, _ =	vpop (xrf0);
	vm0 =	vlt.s32 v10, v4  }
0x138: {  	v6 =	vadd.s32 v8, v6;
	v8 =	vbroadcast v62, $0xF;
	v10 =	vmpcnt.ones.xlane vm0  }
0x139: {  	v12 =	vmpcnt.ones.xlane vm1;
	v7 =	vadd.s32 v9, v7;
	vm0 =	vlt.s32 v11, v4  }
0x13a: {  	v9, _, _ =	vpop (xrf0);
	v8 =	vadd.s32 v6, v8;
	v6 =	vadd.s32 v6, v62;
	v7 =	vadd.s32 v10, v7  }
0x13b: {  	vm1 =	vlt.s32 v6, v4;
	v6 =	vadd.s32 v8, v9;
	v8 =	vmpcnt.ones.xlane vm0  }
0x13c: {  	v7 =	vadd.s32 v7, v12;
	v9 =	vmpcnt.ones.xlane vm1;
	vm0 =	vlt.s32 v6, v4  }
0x13d: {  	v4 =	vadd.s32 v8, v7;
	v6 =	vmpcnt.ones.xlane vm0  }
0x13e: {  	v3 =	vshll.u32 v3, $0x14;
	v5 =	vshll.u32 v5, $0x8;
	s17 =	simm.s32 $0x40;
	v4 =	vadd.s32 v9, v4  }
0x13f: {  	v3 =	vor.u32 v3, v5;
	v7 =	vld [tilespmem:s17+$0x30];
	v4 =	vadd.s32 v6, v4  }
0x140: {  	v10 =	vld [tilespmem:s17+$0xFFFFFFD0];
	v3 =	vor.u32 v4, v3  }
0x141: {  	v9 =	vld [tilespmem:s17+$0xFFFFFFE0];
	vm0 =	vgt.s32 v3, $0xFFFFFFFF  }
0x142: {  	v8 =	vld [tilespmem:s17+$0xFFFFFFF0];
	v4 =	vsel vm0, $0xFFFFFFFF, v2  }
0x143: {  	v6 =	vld [tilespmem:s17+$0x0];
	v3 =	vxor.u32 v3, v4  }
0x144: {  	v5 =	vld [tilespmem:s17+$0x10];
	vm0 =	vgt.f32 v7, v3  }
0x145: {  	v4 =	vld [tilespmem:s17+$0x20];
	vm1 =	vgt.f32 v10, v3;
	v11 =	vnsel vm0, $0x0, v7  }
0x146: {  	s18 =	simm.s32 $0x0;
	s19 =	simm.s32 $0xC0;
	v7 =	vld [tilespmem:s17+$0xFFFFFFC0];
	v10 =	vnsel vm1, $0x0, v10;
	vm0 =	vgt.f32 v9, v3;
	[tilespmem:s17+$0x30] =	vst v11  }
.LBB2_20:
0x147: {  	v11 =	vld [tilespmem:s19+$0x30];
	s18 =	sadd.s32 $0x8, s18;
	[tilespmem:s17+$0xFFFFFFD0] =	vst v10;
	v9 =	vnsel vm0, $0x0, v9;
	vm0 =	vgt.f32 v8, v3  }
0x148: {  	v10 =	vld [tilespmem:s19+$0xFFFFFFD0];
	p0 =	slt.u32 s18, $0x7F8;
	[tilespmem:s17+$0xFFFFFFE0] =	vst v9;
	v8 =	vnsel vm0, $0x0, v8;
	vm0 =	vgt.f32 v6, v3  }
0x149: {  	v9 =	vld [tilespmem:s19+$0xFFFFFFE0];
	[tilespmem:s17+$0xFFFFFFF0] =	vst v8;
	v6 =	vnsel vm0, $0x0, v6;
	vm0 =	vgt.f32 v5, v3  }
.Ltmp9:
0x14a: {  	v8 =	vld [tilespmem:s19+$0xFFFFFFF0];
	[tilespmem:s17+$0x0] =	vst v6;
	v5 =	vnsel vm0, $0x0, v5;
	vm0 =	vgt.f32 v4, v3;
	(pc) =	sbr.rel @p0 .LBB2_20-.Ltmp9, $4  }
0x14b: {  	v6 =	vld [tilespmem:s19+$0x0];
	vm1 =	vgt.f32 v7, v3;
	[tilespmem:s17+$0x10] =	vst v5;
	v4 =	vnsel vm0, $0x0, v4  }
0x14c: {  	v5 =	vld [tilespmem:s19+$0x10];
	vm0 =	vgt.f32 v11, v3;
	v7 =	vnsel vm1, $0x0, v7;
	[tilespmem:s17+$0x20] =	vst v4  }
0x14d: {  	vm1 =	vgt.f32 v10, v3;
	v4 =	vld [tilespmem:s19+$0x20];
	v11 =	vnsel vm0, $0x0, v11;
	[tilespmem:s17+$0xFFFFFFC0] =	vst v7;
	s17 =	smov.u32 s19  }
0x14e: {  	s19 =	sadd.s32 $0x80, s19;
	v7 =	vld [tilespmem:s17+$0xFFFFFFC0];
	v10 =	vnsel vm1, $0x0, v10;
	vm0 =	vgt.f32 v9, v3;
	[tilespmem:s17+$0x30] =	vst v11  }
0x14f: {  	[tilespmem:s17+$0xFFFFFFD0] =	vst v10;
	v9 =	vnsel vm0, $0x0, v9;
	vm12 =	vgt.f32 v8, v3  }
0x150: {  	[tilespmem:s17+$0xFFFFFFE0] =	vst v9;
	v8 =	vnsel vm12, $0x0, v8;
	vm13 =	vgt.f32 v6, v3  }
0x151: {  	[tilespmem:s17+$0xFFFFFFF0] =	vst v8;
	v6 =	vnsel vm13, $0x0, v6;
	vm14 =	vgt.f32 v5, v3  }
0x152: {  	[tilespmem:s17+$0x0] =	vst v6;
	v5 =	vnsel vm14, $0x0, v5;
	vm15 =	vgt.f32 v4, v3  }
0x153: {  	vm1 =	vgt.f32 v7, v3;
	[tilespmem:s17+$0x10] =	vst v5;
	v3 =	vnsel vm15, $0x0, v4  }
0x154: {  	v63 =	vnsel vm1, $0x0, v7;
	[tilespmem:s17+$0x20] =	vst v3  }
0x155: {  	[tilespmem:s17+$0xFFFFFFC0] =	vst v63  }
0x156: {  	[hbm4b:s5+s8] =	stream.strided.scatter [tilespmem:s2], [sflag:$0x3], $0x8000, s9, s8, $0x38;
	[tilespmem:$0x19000] =	vst v63  }
0x157: {  	_ =	swait.ge [sflag:s13], $0x8000  }
0x158: {  	[sflag:s13] =	ssyncset.done $0x0  }
0x159: {  	s18 =	simm.s32 $0x18040;
	[sflag:s13] =	ssyncadd.s32 $0xFFFF8000  }
0x15a: {  	[tilespmem:s18+$0xFFFFFFC0] =	vst v0  }
0x15b: {  	[tilespmem:s18+$0x30] =	vst v0  }
0x15c: {  	[tilespmem:s18+$0x20] =	vst v0  }
0x15d: {  	[tilespmem:s18+$0x10] =	vst v0  }
0x15e: {  	[tilespmem:s18+$0x0] =	vst v0  }
0x15f: {  	[tilespmem:s18+$0xFFFFFFF0] =	vst v0  }
0x160: {  	s20 =	simm.s32 $0x0;
	[tilespmem:s18+$0xFFFFFFE0] =	vst v0  }
.LBB2_22:
0x161: {  	s20 =	sadd.s32 $0x8, s20;
	[tilespmem:s18+$0xFFFFFFD0] =	vst v0;
	s18 =	sadd.s32 $0x80, s18;
	s19 =	simm.s32 $0x8040  }
0x162: {  	[tilespmem:s18+$0xFFFFFFC0] =	vst v0;
	p0 =	slt.u32 s20, $0xF8  }
0x163: {  	[tilespmem:s18+$0x30] =	vst v0  }
.Ltmp10:
0x164: {  	[tilespmem:s18+$0x20] =	vst v0;
	(pc) =	sbr.rel @p0 .LBB2_22-.Ltmp10, $4  }
0x165: {  	[tilespmem:s18+$0x10] =	vst v0  }
0x166: {  	[tilespmem:s18+$0x0] =	vst v0  }
0x167: {  	[tilespmem:s18+$0xFFFFFFF0] =	vst v0  }
0x168: {  	s17 =	simm.s32 $0x10040;
	[tilespmem:s18+$0xFFFFFFE0] =	vst v0  }
0x169: {  	[tilespmem:s18+$0xFFFFFFD0] =	vst v0  }
0x16a: {  	v3 =	vld [tilespmem:s19+$0xFFFFFFE0]  }
0x16b: {  	v6 =	vld [tilespmem:s19+$0x20]  }
0x16c: {  	v7 =	vld [tilespmem:s19+$0xFFFFFFC0]  }
0x16d: {  	v12 =	vld [tilespmem:s19+$0x30]  }
0x16e: {  	v5 =	vld [tilespmem:s19+$0xFFFFFFF0]  }
0x16f: {  	v8 =	vld [tilespmem:s19+$0x10];
	_ =	sdelay $0x1  }
0x170: {  	v4 =	vld [tilespmem:s19+$0xFFFFFFD0]  }
0x171: {  	v9 =	vshra.s32 v6, $0x1F  }
0x172: {  	v10 =	vshra.s32 v3, $0x1F;
	v11 =	vshra.s32 v7, $0x1F;
	v13 =	vshra.s32 v12, $0x1F  }
0x173: {  	v14 =	vshra.s32 v5, $0x1F;
	v17 =	vshra.s32 v8, $0x1F;
	v9 =	vor.u32 $0x80000000, v9  }
0x174: {  	v11 =	vor.u32 $0x80000000, v11;
	v10 =	vor.u32 $0x80000000, v10;
	v16 =	vor.u32 $0x80000000, v13  }
0x175: {  	v13 =	vor.u32 $0x80000000, v14;
	v15 =	vxor.u32 v3, v10;
	v10 =	vshra.s32 v4, $0x1F  }
0x176: {  	v14 =	vxor.u32 v7, v11;
	v11 =	vxor.u32 v6, v9;
	v12 =	vxor.u32 v12, v16  }
0x177: {  	s18 =	simm.s32 $0x0;
	s20 =	simm.s32 $0x10040;
	v9 =	vld [tilespmem:s19+$0x0];
	s19 =	simm.s32 $0x80C0;
	v3 =	vshrl.u32 v15, $0x14;
	v7 =	vshrl.u32 v14, $0x14;
	[tilespmem:s17+$0xFFFFFFE0] =	vst v15;
	v15 =	vor.u32 $0x80000000, v17  }
.LBB2_24:
0x178: {  	v16 =	vld [tilespmem:s19+$0xFFFFFFE0];
	s18 =	sadd.s32 $0x8, s18;
	[tilespmem:s17+$0xFFFFFFC0] =	vst v14;
	v5 =	vxor.u32 v5, v13;
	v6 =	vxor.u32 v8, v15;
	v8 =	vshrl.u32 v12, $0x14;
	s20 =	sadd.s32 $0x80, s20  }
0x179: {  	v17 =	vshrl.u32 v11, $0x14;
	v14 =	vld [tilespmem:s19+$0xFFFFFFC0];
	p0 =	slt.u32 s18, $0x7F8;
	[tilespmem:s17+$0xFFFFFFF0] =	vst v5;
	v13 =	vshrl.u32 v5, $0x14;
	v15 =	vshrl.u32 v6, $0x14  }
0x17a: {  	v10 =	vor.u32 $0x80000000, v10;
	v5 =	vld [tilespmem:s19+$0xFFFFFFF0];
	[tilespmem:s17+$0x20] =	vst v11  }
0x17b: {  	v10 =	vxor.u32 v4, v10;
	v11 =	vld [tilespmem:s19+$0x20];
	[tilespmem:s17+$0x30] =	vst v12  }
0x17c: {  	v12 =	vld [tilespmem:s19+$0x30];
	v4 =	vshra.s32 v9, $0x1F;
	[tilespmem:s17+$0x10] =	vst v6  }
0x17d: {  	v18 =	vshrl.u32 v10, $0x14;
	v4 =	vor.u32 $0x80000000, v4;
	[tilespmem:v8+s12+$0x0] =	vst.idx.add.s32.msk $0xffff, v1  }
0x17e: {  	v6 =	vxor.u32 v9, v4;
	[tilespmem:v15+s12+$0x0] =	vst.idx.add.s32.msk $0xffff, v1  }
0x17f: {  	v4 =	vld [tilespmem:s19+$0xFFFFFFD0];
	[tilespmem:s17+$0x0] =	vst v6;
	v9 =	vshrl.u32 v6, $0x14  }
0x180: {  	[tilespmem:v17+s12+$0x0] =	vst.idx.add.s32.msk $0xffff, v1  }
0x181: {  	v15 =	vshra.s32 v16, $0x1F;
	v6 =	vshra.s32 v11, $0x1F;
	v8 =	vld [tilespmem:s19+$0x10];
	[tilespmem:s17+$0xFFFFFFD0] =	vst v10;
	s17 =	smov.u32 s20  }
0x182: {  	v10 =	vshra.s32 v14, $0x1F;
	v17 =	vor.u32 $0x80000000, v6;
	v6 =	vimm.s32 $0x0;
	[tilespmem:v18+s12+$0x0] =	vst.idx.add.s32.msk $0xffff, v1  }
.Ltmp11:
0x183: {  	v18 =	vor.u32 $0x80000000, v10;
	v10 =	vor.u32 $0x80000000, v15;
	v15 =	vshra.s32 v12, $0x1F;
	[tilespmem:v7+s12+$0x0] =	vst.idx.add.s32.msk $0xffff, v1;
	(pc) =	sbr.rel @p0 .LBB2_24-.Ltmp11, $4  }
0x184: {  	v16 =	vxor.u32 v16, v10;
	v7 =	vshra.s32 v5, $0x1F;
	v19 =	vor.u32 $0x80000000, v15;
	[tilespmem:v13+s12+$0x0] =	vst.idx.add.s32.msk $0xffff, v1  }
0x185: {  	v10 =	vshra.s32 v4, $0x1F;
	v20 =	vshrl.u32 v16, $0x14;
	v13 =	vor.u32 $0x80000000, v7;
	[tilespmem:v9+s12+$0x0] =	vst.idx.add.s32.msk $0xffff, v1  }
0x186: {  	v11 =	vxor.u32 v11, v17;
	v14 =	vxor.u32 v14, v18;
	v15 =	vshra.s32 v8, $0x1F;
	[tilespmem:v3+s12+$0x0] =	vst.idx.add.s32.msk $0xffff, v1  }
0x187: {  	s21 =	simm.s32 $0x18020;
	v7 =	vshrl.u32 v14, $0x14;
	v12 =	vxor.u32 v12, v19;
	v3 =	vmovc v20;
	[tilespmem:s20+$0xFFFFFFE0] =	vst v16;
	v9 =	vld [tilespmem:s19+$0x0];
	v15 =	vor.u32 $0x80000000, v15;
	s19 =	sadd.s32 $0x80, s19  }
0x188: {  	_ = 	snop  }
0x189: {  	[tilespmem:s17+$0xFFFFFFC0] =	vst v14  }
0x18a: {  	[tilespmem:s17+$0x20] =	vst v11  }
0x18b: {  	[tilespmem:s17+$0x30] =	vst v12  }
0x18c: {  	v5 =	vxor.u32 v5, v13;
	v60 =	vshrl.u32 v12, $0x14;
	[tilespmem:v3+s12+$0x0] =	vst.idx.add.s32.msk $0xffff, v1  }
0x18d: {  	v8 =	vxor.u32 v8, v15;
	[tilespmem:s17+$0xFFFFFFF0] =	vst v5  }
0x18e: {  	v11 =	vshrl.u32 v11, $0x14;
	v10 =	vor.u32 $0x80000000, v10;
	[tilespmem:s17+$0x10] =	vst v8  }
0x18f: {  	v61 =	vshrl.u32 v8, $0x14;
	v4 =	vxor.u32 v4, v10;
	[tilespmem:v7+s12+$0x0] =	vst.idx.add.s32.msk $0xffff, v1;
	v10 =	vshra.s32 v9, $0x1F  }
0x190: {  	v5 =	vshrl.u32 v5, $0x14;
	[tilespmem:s17+$0xFFFFFFD0] =	vst v4;
	v10 =	vor.u32 $0x80000000, v10  }
0x191: {  	v8 =	vshrl.u32 v4, $0x14;
	[tilespmem:v60+s12+$0x0] =	vst.idx.add.s32.msk $0xffff, v1;
	v9 =	vxor.u32 v9, v10  }
0x192: {  	[tilespmem:s17+$0x0] =	vst v9;
	v9 =	vshrl.u32 v9, $0x14  }
0x193: {  	[tilespmem:v11+s12+$0x0] =	vst.idx.add.s32.msk $0xffff, v1  }
0x194: {  	[tilespmem:v61+s12+$0x0] =	vst.idx.add.s32.msk $0xffff, v1  }
0x195: {  	[tilespmem:v5+s12+$0x0] =	vst.idx.add.s32.msk $0xffff, v1  }
0x196: {  	[tilespmem:v8+s12+$0x0] =	vst.idx.add.s32.msk $0xffff, v1  }
0x197: {  	[tilespmem:v9+s12+$0x0] =	vst.idx.add.s32.msk $0xffff, v1  }
0x198: {  	v3 =	vld [tilespmem:s21+$0xFFFFFFE0]  }
0x199: {  	v4 =	vld [tilespmem:s21+$0xFFFFFFF0];
	_ =	sdelay $0x3  }
0x19a: {  	v5 =	vld [tilespmem:s21+$0x0];
	(xrf0) =	vadd.scan.msk.s32 $0xffff, v3  }
0x19b: {  	(xrf0) =	vadd.scan.msk.s32 $0xffff, v4;
	_ =	sdelay $0x2  }
0x19c: {  	v3 =	vld [tilespmem:s21+$0x10]  }
0x19d: {  	(xrf0) =	vadd.scan.msk.s32 $0xffff, v5  }
0x19e: {  	s18 =	simm.s32 $0x18060;
	v4, _, _ =	vpop (xrf0)  }
0x19f: {  	v5 =	vld [tilespmem:s18+$0xFFFFFFE0];
	v7 =	vbroadcast v4, $0xF;
	v8, _, _ =	vpop (xrf0)  }
0x1a0: {  	v9 =	vbroadcast v8, $0xF  }
0x1a1: {  	(xrf0) =	vadd.scan.msk.s32 $0xffff, v3;
	v3 =	vadd.s32 v6, v7  }
0x1a2: {  	v4 =	vadd.s32 v6, v4;
	v8 =	vadd.s32 v3, v8;
	v3 =	vadd.s32 v3, v9;
	v9 =	vld [tilespmem:s18+$0xFFFFFFF0]  }
0x1a3: {  	vm0 =	vlt.s32 v4, $0x7334;
	v7, _, _ =	vpop (xrf0)  }
0x1a4: {  	v10 =	vld [tilespmem:s18+$0x0];
	v4 =	vnsel vm0, $0x0, v4;
	(xrf0) =	vadd.scan.msk.s32 $0xffff, v5;
	v5 =	vbroadcast v7, $0xF;
	v7 =	vadd.s32 v3, v7  }
0x1a5: {  	vm1 =	vgt.s32 v6, v4;
	vm2 =	vlt.s32 v8, $0x7334  }
0x1a6: {  	v4 =	vsel vm1, v6, v4;
	v8 =	vnsel vm2, $0x0, v8;
	vm1 =	vlt.s32 v7, $0x7334  }
0x1a7: {  	v11 =	vmpcnt.ones.xlane vm0;
	vm0 =	vgt.s32 v4, v8;
	v63 =	vnsel vm1, $0x0, v7;
	v7, _, _ =	vpop (xrf0);
	(xrf0) =	vadd.scan.msk.s32 $0xffff, v9  }
0x1a8: {  	v62 =	vmpcnt.ones.xlane vm2;
	v4 =	vsel vm0, v4, v8  }
0x1a9: {  	v8 =	vadd.s32 v6, v11;
	v6 =	vadd.s32 v3, v5;
	v3 =	vld [tilespmem:s18+$0x10];
	vm0 =	vgt.s32 v4, v63;
	(xrf0) =	vadd.scan.msk.s32 $0xffff, v10  }
0x1aa: {  	v5 =	vadd.s32 v62, v8;
	v8 =	vadd.s32 v6, v7;
	v9 =	vbroadcast v7, $0xF  }
0x1ab: {  	s17 =	simm.s32 $0x4;
	s18 =	simm.s32 $0x180A0;
	v10 =	vmpcnt.ones.xlane vm1;
	v4 =	vsel vm0, v4, v63;
	v7, _, _ =	vpop (xrf0);
	vm0 =	vlt.s32 v8, $0x7334  }
.LBB2_26:
0x1ac: {  	v11 =	vld [tilespmem:s18+$0xFFFFFFE0];
	s17 =	sadd.s32 $0x4, s17;
	v12 =	vmpcnt.ones.xlane vm0;
	v8 =	vnsel vm0, $0x0, v8;
	v6 =	vadd.s32 v6, v9  }
0x1ad: {  	v9 =	vbroadcast v7, $0xF;
	p0 =	slt.u32 s17, $0xFC;
	v13, _, _ =	vpop (xrf0);
	v5 =	vadd.s32 v10, v5;
	vm0 =	vgt.s32 v4, v8  }
0x1ae: {  	v7 =	vadd.s32 v6, v7;
	v10 =	vld [tilespmem:s18+$0xFFFFFFF0];
	v14 =	vbroadcast v13, $0xF;
	(xrf0) =	vadd.scan.msk.s32 $0xffff, v3;
	v5 =	vadd.s32 v12, v5  }
0x1af: {  	vm1 =	vlt.s32 v7, $0x7334;
	v3 =	vadd.s32 v6, v9;
	v4 =	vsel vm0, v4, v8;
	v6, _, _ =	vpop (xrf0)  }
0x1b0: {  	v7 =	vnsel vm1, $0x0, v7;
	v9 =	vadd.s32 v3, v13;
	v8 =	vld [tilespmem:s18+$0x0];
	v12 =	vadd.s32 v3, v14  }
0x1b1: {  	vm0 =	vgt.s32 v4, v7;
	vm2 =	vlt.s32 v9, $0x7334;
	(xrf0) =	vadd.scan.msk.s32 $0xffff, v11;
	v11 =	vbroadcast v6, $0xF  }
0x1b2: {  	v3 =	vsel vm0, v4, v7;
	v4 =	vnsel vm2, $0x0, v9;
	v6 =	vadd.s32 v12, v6  }
.Ltmp12:
0x1b3: {  	v7 =	vmpcnt.ones.xlane vm1;
	vm0 =	vgt.s32 v3, v4;
	vm1 =	vlt.s32 v6, $0x7334;
	(xrf0) =	vadd.scan.msk.s32 $0xffff, v10;
	(pc) =	sbr.rel @p0 .LBB2_26-.Ltmp12, $4  }
0x1b4: {  	v9 =	vmpcnt.ones.xlane vm2;
	v4 =	vsel vm0, v3, v4;
	v13 =	vnsel vm1, $0x0, v6;
	v10, _, _ =	vpop (xrf0)  }
0x1b5: {  	v5 =	vadd.s32 v5, v7;
	v6 =	vadd.s32 v12, v11;
	vm0 =	vgt.s32 v4, v13;
	v3 =	vld [tilespmem:s18+$0x10];
	(xrf0) =	vadd.scan.msk.s32 $0xffff, v8  }
0x1b6: {  	v5 =	vadd.s32 v9, v5;
	v8 =	vadd.s32 v6, v10;
	v9 =	vbroadcast v10, $0xF  }
0x1b7: {  	s18 =	sadd.s32 $0x40, s18;
	v10 =	vmpcnt.ones.xlane vm1;
	v4 =	vsel vm0, v4, v13;
	vm0 =	vlt.s32 v8, $0x7334;
	v7, _, _ =	vpop (xrf0)  }
0x1b8: {  	v11 =	vmpcnt.ones.xlane vm0;
	v8 =	vnsel vm0, $0x0, v8  }
0x1b9: {  	v6 =	vadd.s32 v6, v9;
	v58 =	vbroadcast v7, $0xF;
	v12, _, _ =	vpop (xrf0);
	v5 =	vadd.s32 v10, v5  }
0x1ba: {  	vm0 =	vgt.s32 v4, v8;
	v7 =	vadd.s32 v6, v7;
	v59 =	vbroadcast v12, $0xF  }
0x1bb: {  	(xrf0) =	vadd.scan.msk.s32 $0xffff, v3;
	v3 =	vadd.s32 v11, v5;
	vm1 =	vlt.s32 v7, $0x7334;
	v5 =	vadd.s32 v6, v58  }
0x1bc: {  	v4 =	vsel vm0, v4, v8;
	v6 =	vnsel vm1, $0x0, v7;
	v60 =	vadd.s32 v5, v12  }
0x1bd: {  	v62 =	vmpcnt.ones.xlane vm1;
	v7, _, _ =	vpop (xrf0);
	v5 =	vadd.s32 v5, v59;
	vm0 =	vgt.s32 v4, v6  }
0x1be: {  	vm2 =	vlt.s32 v60, $0x7334;
	v61 =	vbroadcast v7, $0xF;
	v7 =	vadd.s32 v5, v7  }
0x1bf: {  	s17 =	simm.s32 $0x18040;
	v4 =	vsel vm0, v4, v6;
	v6 =	vnsel vm2, $0x0, v60;
	v63 =	vmpcnt.ones.xlane vm2  }
0x1c0: {  	[tilespmem:s17+$0xFFFFFFC0] =	vst v0;
	v3 =	vadd.s32 v3, v62;
	vm0 =	vgt.s32 v4, v6;
	vm14 =	vlt.s32 v7, $0x7334  }
0x1c1: {  	[tilespmem:s17+$0x30] =	vst v0;
	v4 =	vsel vm0, v4, v6;
	v6 =	vnsel vm14, $0x0, v7;
	v5 =	vadd.s32 v5, v61;
	v7, _, _ =	vpop (xrf0)  }
0x1c2: {  	[tilespmem:s17+$0x20] =	vst v0;
	v3 =	vadd.s32 v63, v3;
	v5 =	vadd.s32 v5, v7  }
0x1c3: {  	[tilespmem:s17+$0x10] =	vst v0;
	vm0 =	vgt.s32 v4, v6;
	v7 =	vmpcnt.ones.xlane vm14;
	vm15 =	vlt.s32 v5, $0x7334  }
0x1c4: {  	[tilespmem:s17+$0x0] =	vst v0;
	v4 =	vsel vm0, v4, v6;
	v6 =	vmpcnt.ones.xlane vm15;
	v5 =	vnsel vm15, $0x0, v5  }
0x1c5: {  	[tilespmem:s17+$0xFFFFFFF0] =	vst v0;
	v3 =	vadd.s32 v7, v3;
	vm0 =	vgt.s32 v4, v5  }
0x1c6: {  	s18 =	simm.s32 $0x0;
	[tilespmem:s17+$0xFFFFFFE0] =	vst v0;
	v3 =	vadd.s32 v6, v3;
	v4 =	vsel vm0, v4, v5  }
.LBB2_28:
0x1c7: {  	s18 =	sadd.s32 $0x8, s18;
	[tilespmem:s17+$0xFFFFFFD0] =	vst v0;
	s17 =	sadd.s32 $0x80, s17  }
0x1c8: {  	[tilespmem:s17+$0xFFFFFFC0] =	vst v0;
	p0 =	slt.u32 s18, $0xF8  }
0x1c9: {  	[tilespmem:s17+$0x30] =	vst v0  }
.Ltmp13:
0x1ca: {  	[tilespmem:s17+$0x20] =	vst v0;
	(pc) =	sbr.rel @p0 .LBB2_28-.Ltmp13, $4  }
0x1cb: {  	[tilespmem:s17+$0x10] =	vst v0  }
0x1cc: {  	[tilespmem:s17+$0x0] =	vst v0  }
0x1cd: {  	[tilespmem:s17+$0xFFFFFFF0] =	vst v0  }
0x1ce: {  	[tilespmem:s17+$0xFFFFFFE0] =	vst v0  }
0x1cf: {  	[tilespmem:s17+$0xFFFFFFD0] =	vst v0;
	s31 =	simm.s32 $0x10040  }
0x1d0: {  	v5 =	vld [tilespmem:s31+$0xFFFFFFC0]  }
0x1d1: {  	v6 =	vld [tilespmem:s31+$0xFFFFFFE0];
	_ =	sdelay $0x2  }
0x1d2: {  	v9 =	vld [tilespmem:s31+$0xFFFFFFF0]  }
0x1d3: {  	v11 =	vld [tilespmem:s31+$0x20];
	v7 =	vshrl.u32 v5, $0x14  }
0x1d4: {  	v5 =	vshrl.u32 v5, $0x8;
	v8 =	vshrl.u32 v6, $0x14;
	vm3 =	veq.s32 v7, v3  }
0x1d5: {  	v13 =	vld [tilespmem:s31+$0x30];
	v6 =	vshrl.u32 v6, $0x8;
	v12 =	vand.u32 $0xFFF, v5;
	vm2 =	veq.s32 v8, v3  }
0x1d6: {  	v5 =	vld [tilespmem:s31+$0xFFFFFFD0];
	v8 =	vand.u32 $0xFFF, v6;
	_ =	sdelay $0x1  }
0x1d7: {  	v14 =	vshrl.u32 v11, $0x14;
	v7 =	vshrl.u32 v9, $0x8;
	v6 =	vshrl.u32 v9, $0x14;
	v9 =	vld [tilespmem:s31+$0x10]  }
0x1d8: {  	v10 =	vld [tilespmem:s31+$0x0];
	vm1 =	veq.s32 v14, v3;
	vm0 =	veq.s32 v6, v3;
	v6 =	vshrl.u32 v11, $0x8  }
0x1d9: {  	s17 =	simm.s32 $0x0;
	s18 =	simm.s32 $0x100C0;
	v11 =	vshrl.u32 v13, $0x8;
	v6 =	vand.u32 $0xFFF, v6;
	[tilespmem:v12+s12+$0x0] =	vst.idx.add.s32.msk vm3, v1;
	v12 =	vshrl.u32 v13, $0x14  }
.LBB2_30:
0x1da: {  	s17 =	sadd.s32 $0x8, s17;
	v13 =	vshrl.u32 v5, $0x14;
	[tilespmem:v8+s12+$0x0] =	vst.idx.add.s32.msk vm2, v1;
	vm3 =	veq.s32 v12, v3  }
0x1db: {  	v5 =	vshrl.u32 v5, $0x8;
	v8 =	vand.u32 $0xFFF, v7;
	v12 =	vld [tilespmem:s18+$0xFFFFFFF0];
	p0 =	slt.u32 s17, $0x7F8;
	vm4 =	veq.s32 v13, v3  }
0x1dc: {  	v11 =	vand.u32 $0xFFF, v11;
	v14 =	vand.u32 $0xFFF, v5;
	v13 =	vld [tilespmem:s18+$0xFFFFFFE0];
	v5 =	vshrl.u32 v9, $0x14  }
0x1dd: {  	v15 =	vld [tilespmem:s18+$0xFFFFFFC0];
	v7 =	vshrl.u32 v10, $0x14;
	vm5 =	veq.s32 v5, v3;
	v5 =	vshrl.u32 v9, $0x8  }
0x1de: {  	v16 =	vld [tilespmem:s18+$0x30];
	vm6 =	veq.s32 v7, v3;
	v7 =	vshrl.u32 v10, $0x8;
	v9 =	vand.u32 $0xFFF, v5  }
0x1df: {  	v17 =	vld [tilespmem:s18+$0x20];
	v10 =	vand.u32 $0xFFF, v7  }
0x1e0: {  	v5 =	vld [tilespmem:s18+$0xFFFFFFD0];
	v7 =	vshrl.u32 v12, $0x8  }
0x1e1: {  	[tilespmem:v8+s12+$0x0] =	vst.idx.add.s32.msk vm0, v1  }
0x1e2: {  	v18 =	vshrl.u32 v13, $0x14;
	v13 =	vshrl.u32 v13, $0x8;
	v8 =	vshrl.u32 v15, $0x14;
	[tilespmem:v6+s12+$0x0] =	vst.idx.add.s32.msk vm1, v1  }
0x1e3: {  	v6 =	vshrl.u32 v15, $0x8;
	vm2 =	veq.s32 v18, v3;
	vm7 =	veq.s32 v8, v3;
	[tilespmem:v9+s12+$0x0] =	vst.idx.add.s32.msk vm5, v1  }
0x1e4: {  	v6 =	vand.u32 $0xFFF, v6;
	v8 =	vand.u32 $0xFFF, v13;
	[tilespmem:v10+s12+$0x0] =	vst.idx.add.s32.msk vm6, v1  }
.Ltmp14:
0x1e5: {  	v9 =	vshrl.u32 v12, $0x14;
	[tilespmem:v11+s12+$0x0] =	vst.idx.add.s32.msk vm3, v1;
	(pc) =	sbr.rel @p0 .LBB2_30-.Ltmp14, $4  }
0x1e6: {  	vm0 =	veq.s32 v9, v3;
	[tilespmem:v14+s12+$0x0] =	vst.idx.add.s32.msk vm4, v1  }
0x1e7: {  	v11 =	vshrl.u32 v17, $0x14;
	v9 =	vld [tilespmem:s18+$0x10]  }
0x1e8: {  	vm1 =	veq.s32 v11, v3;
	v11 =	vshrl.u32 v17, $0x8;
	v10 =	vld [tilespmem:s18+$0x0]  }
0x1e9: {  	v12 =	vshrl.u32 v16, $0x14;
	s18 =	sadd.s32 $0x80, s18;
	[tilespmem:v6+s12+$0x0] =	vst.idx.add.s32.msk vm7, v1;
	v6 =	vand.u32 $0xFFF, v11;
	v11 =	vshrl.u32 v16, $0x8  }
0x1ea: {  	_ =	sdelay $0x2  }
0x1eb: {  	v4 =	vxor.u32 $0x80000000, v4  }
0x1ec: {  	(xrf0) =	vmax.scan.msk.u32 $0xffff, v4  }
0x1ed: {  	v7 =	vand.u32 $0xFFF, v7;
	vm5 =	veq.s32 v12, v3;
	[tilespmem:v8+s12+$0x0] =	vst.idx.add.s32.msk vm2, v1;
	v8 =	vand.u32 $0xFFF, v11  }
0x1ee: {  	v4 =	vshrl.u32 v5, $0x14;
	v5 =	vshrl.u32 v5, $0x8;
	v13 =	vshrl.u32 v9, $0x14  }
0x1ef: {  	vm6 =	veq.s32 v4, v3;
	v14 =	vshrl.u32 v10, $0x14;
	v10 =	vshrl.u32 v10, $0x8  }
0x1f0: {  	v9 =	vshrl.u32 v9, $0x8;
	v5 =	vand.u32 $0xFFF, v5;
	vm3 =	veq.s32 v13, v3  }
0x1f1: {  	v9 =	vand.u32 $0xFFF, v9;
	vm4 =	veq.s32 v14, v3  }
0x1f2: {  	[tilespmem:v6+s12+$0x0] =	vst.idx.add.s32.msk vm1, v1;
	v4 =	vand.u32 $0xFFF, v10;
	v10, _, _ =	vpop (xrf0)  }
0x1f3: {  	[tilespmem:v7+s12+$0x0] =	vst.idx.add.s32.msk vm0, v1;
	(v2sf) =	vpush v10, $0xF  }
0x1f4: {  	[tilespmem:v8+s12+$0x0] =	vst.idx.add.s32.msk vm5, v1  }
0x1f5: {  	[tilespmem:v5+s12+$0x0] =	vst.idx.add.s32.msk vm6, v1  }
0x1f6: {  	[tilespmem:v9+s12+$0x0] =	vst.idx.add.s32.msk vm3, v1  }
0x1f7: {  	s17 =	simm.s32 $0x18020;
	[tilespmem:v4+s12+$0x0] =	vst.idx.add.s32.msk vm4, v1  }
0x1f8: {  	v4 =	vld [tilespmem:s17+$0xFFFFFFE0];
	_ =	sdelay $0x1  }
0x1f9: {  	v5 =	vld [tilespmem:s17+$0xFFFFFFF0];
	_ =	sdelay $0x2  }
0x1fa: {  	v6 =	vld [tilespmem:s17+$0x0];
	(xrf0) =	vadd.scan.msk.s32 $0xffff, v4;
	_ =	sdelay $0x1  }
0x1fb: {  	(xrf0) =	vadd.scan.msk.s32 $0xffff, v5;
	_ =	sdelay $0x2  }
0x1fc: {  	v7 =	vld [tilespmem:s17+$0x10];
	(xrf0) =	vadd.scan.msk.s32 $0xffff, v6;
	s18 =	spop (v2sf)  }
0x1fd: {  	s31 =	simm.s32 $0x18060;
	v6, _, _ =	vpop (xrf0);
	s18 =	sxor.u32 $0x80000000, s18  }
0x1fe: {  	v8 =	vld [tilespmem:s31+$0xFFFFFFE0];
	v10 =	vbroadcast v6, $0xF;
	v4 =	vmov s18  }
0x1ff: {  	v11, _, _ =	vpop (xrf0);
	v4 =	vsub.s32 $0x7334, v4  }
0x200: {  	v9 =	vimm.s32 $0x0;
	v12 =	vbroadcast v11, $0xF;
	v5 =	vbroadcast v4, $0x0  }
0x201: {  	v6 =	vadd.s32 v9, v6;
	(xrf0) =	vadd.scan.msk.s32 $0xffff, v7;
	v7 =	vadd.s32 v9, v10  }
0x202: {  	v11 =	vadd.s32 v7, v11;
	v7 =	vadd.s32 v7, v12;
	v12 =	vld [tilespmem:s31+$0xFFFFFFF0];
	v10, _, _ =	vpop (xrf0);
	vm0 =	vlt.s32 v6, v5  }
0x203: {  	(xrf0) =	vadd.scan.msk.s32 $0xffff, v8;
	v8 =	vbroadcast v10, $0xF;
	v6 =	vnsel vm0, $0x0, v6  }
0x204: {  	v13 =	vld [tilespmem:s31+$0x0];
	v10 =	vadd.s32 v7, v10;
	vm2 =	vlt.s32 v11, v5;
	vm1 =	vgt.s32 v9, v6  }
0x205: {  	v11 =	vnsel vm2, $0x0, v11;
	v6 =	vsel vm1, v9, v6  }
0x206: {  	v14 =	vmpcnt.ones.xlane vm0;
	vm1 =	vlt.s32 v10, v5;
	vm0 =	vgt.s32 v6, v11  }
0x207: {  	v16 =	vnsel vm1, $0x0, v10;
	v10, _, _ =	vpop (xrf0);
	(xrf0) =	vadd.scan.msk.s32 $0xffff, v12;
	v15 =	vsel vm0, v6, v11;
	v6 =	vmpcnt.ones.xlane vm2  }
0x208: {  	v11 =	vadd.s32 v9, v14  }
0x209: {  	v9 =	vadd.s32 v7, v8;
	(xrf0) =	vadd.scan.msk.s32 $0xffff, v13;
	v8 =	vadd.s32 v6, v11;
	v6 =	vld [tilespmem:s31+$0x10]  }
0x20a: {  	v12 =	vbroadcast v10, $0xF;
	vm0 =	vgt.s32 v15, v16;
	v11 =	vadd.s32 v9, v10  }
0x20b: {  	s17 =	simm.s32 $0x4;
	s18 =	simm.s32 $0x180A0;
	v13 =	vmpcnt.ones.xlane vm1;
	v10, _, _ =	vpop (xrf0);
	v7 =	vsel vm0, v15, v16;
	vm0 =	vlt.s32 v11, v5  }
.LBB2_32:
0x20c: {  	v14 =	vld [tilespmem:s18+$0xFFFFFFE0];
	s17 =	sadd.s32 $0x4, s17;
	v15 =	vmpcnt.ones.xlane vm0;
	v11 =	vnsel vm0, $0x0, v11;
	v9 =	vadd.s32 v9, v12  }
0x20d: {  	v12 =	vbroadcast v10, $0xF;
	p0 =	slt.u32 s17, $0xFC;
	v16, _, _ =	vpop (xrf0);
	v8 =	vadd.s32 v13, v8;
	vm0 =	vgt.s32 v7, v11  }
0x20e: {  	v10 =	vadd.s32 v9, v10;
	v13 =	vld [tilespmem:s18+$0xFFFFFFF0];
	v17 =	vbroadcast v16, $0xF;
	(xrf0) =	vadd.scan.msk.s32 $0xffff, v6;
	v8 =	vadd.s32 v15, v8  }
0x20f: {  	vm1 =	vlt.s32 v10, v5;
	v6 =	vadd.s32 v9, v12;
	v7 =	vsel vm0, v7, v11;
	v9, _, _ =	vpop (xrf0)  }
0x210: {  	v10 =	vnsel vm1, $0x0, v10;
	v12 =	vadd.s32 v6, v16;
	v11 =	vld [tilespmem:s18+$0x0];
	v15 =	vadd.s32 v6, v17  }
0x211: {  	vm0 =	vgt.s32 v7, v10;
	vm2 =	vlt.s32 v12, v5;
	(xrf0) =	vadd.scan.msk.s32 $0xffff, v14;
	v14 =	vbroadcast v9, $0xF  }
0x212: {  	v6 =	vsel vm0, v7, v10;
	v7 =	vnsel vm2, $0x0, v12;
	v9 =	vadd.s32 v15, v9  }
.Ltmp15:
0x213: {  	v10 =	vmpcnt.ones.xlane vm1;
	vm0 =	vgt.s32 v6, v7;
	vm1 =	vlt.s32 v9, v5;
	(xrf0) =	vadd.scan.msk.s32 $0xffff, v13;
	(pc) =	sbr.rel @p0 .LBB2_32-.Ltmp15, $4  }
0x214: {  	v12 =	vmpcnt.ones.xlane vm2;
	v7 =	vsel vm0, v6, v7;
	v16 =	vnsel vm1, $0x0, v9;
	v13, _, _ =	vpop (xrf0)  }
0x215: {  	v8 =	vadd.s32 v8, v10;
	v9 =	vadd.s32 v15, v14;
	vm0 =	vgt.s32 v7, v16;
	v6 =	vld [tilespmem:s18+$0x10];
	(xrf0) =	vadd.scan.msk.s32 $0xffff, v11  }
0x216: {  	v8 =	vadd.s32 v12, v8;
	v11 =	vadd.s32 v9, v13;
	v12 =	vbroadcast v13, $0xF  }
0x217: {  	s18 =	sadd.s32 $0x40, s18;
	v13 =	vmpcnt.ones.xlane vm1;
	v7 =	vsel vm0, v7, v16;
	vm0 =	vlt.s32 v11, v5;
	v10, _, _ =	vpop (xrf0)  }
0x218: {  	v14 =	vmpcnt.ones.xlane vm0  }
0x219: {  	v11 =	vnsel vm0, $0x0, v11;
	v9 =	vadd.s32 v9, v12;
	v51 =	vbroadcast v10, $0xF  }
0x21a: {  	v15, _, _ =	vpop (xrf0);
	v8 =	vadd.s32 v13, v8;
	vm0 =	vgt.s32 v7, v11;
	v52 =	vadd.s32 v9, v10  }
0x21b: {  	v53 =	vbroadcast v15, $0xF;
	(xrf0) =	vadd.scan.msk.s32 $0xffff, v6;
	v6 =	vadd.s32 v14, v8;
	vm1 =	vlt.s32 v52, v5  }
0x21c: {  	v8 =	vadd.s32 v9, v51;
	v7 =	vsel vm0, v7, v11;
	v54 =	vnsel vm1, $0x0, v52  }
0x21d: {  	v55, _, _ =	vpop (xrf0);
	v56 =	vadd.s32 v8, v15;
	v59 =	vmpcnt.ones.xlane vm1;
	v8 =	vadd.s32 v8, v53  }
0x21e: {  	vm0 =	vgt.s32 v7, v54;
	vm2 =	vlt.s32 v56, v5;
	v57 =	vbroadcast v55, $0xF  }
0x21f: {  	v7 =	vsel vm0, v7, v54;
	v58 =	vnsel vm2, $0x0, v56;
	v10 =	vadd.s32 v8, v55  }
0x220: {  	v60 =	vmpcnt.ones.xlane vm2;
	v6 =	vadd.s32 v6, v59;
	vm0 =	vgt.s32 v7, v58  }
0x221: {  	vm14 =	vlt.s32 v10, v5;
	v8 =	vadd.s32 v8, v57;
	v7 =	vsel vm0, v7, v58;
	v62, _, _ =	vpop (xrf0)  }
0x222: {  	v61 =	vnsel vm14, $0x0, v10;
	v6 =	vadd.s32 v60, v6;
	v8 =	vadd.s32 v8, v62  }
0x223: {  	v63 =	vmpcnt.ones.xlane vm14;
	vm0 =	vgt.s32 v7, v61;
	vm15 =	vlt.s32 v8, v5  }
0x224: {  	v7 =	vsel vm0, v7, v61;
	v5 =	vmpcnt.ones.xlane vm15;
	v8 =	vnsel vm15, $0x0, v8  }
0x225: {  	v6 =	vadd.s32 v63, v6;
	vm0 =	vgt.s32 v7, v8  }
0x226: {  	s17 =	simm.s32 $0x0;
	p0 =	por $0x1, $0x1;
	v5 =	vadd.s32 v5, v6;
	v6 =	vsel vm0, v7, v8  }
.LBB2_34:
0x227: {  	s17 =	sshra.s32 s17, $0x2  }
0x228: {  	[tilespmem:s17+$0x18000] =	vst v0  }
0x229: {  	[tilespmem:s17+$0x18010] =	vst v0  }
0x22a: {  	p1 =	por p0, p0;
	[tilespmem:s17+$0x18020] =	vst v0  }
.Ltmp16:
0x22b: {  	[tilespmem:s17+$0x18030] =	vst v0;
	(pc) =	sbr.rel @p1 .LBB2_34-.Ltmp16, $4  }
0x22c: {  	[tilespmem:s17+$0x18040] =	vst v0  }
0x22d: {  	[tilespmem:s17+$0x18050] =	vst v0  }
0x22e: {  	[tilespmem:s17+$0x18060] =	vst v0  }
0x22f: {  	p0 =	por $0x0, $0x0;
	[tilespmem:s17+$0x18070] =	vst v0;
	s17 =	simm.s32 $0x200  }
0x230: {  	s17 =	simm.s32 $0x10040  }
0x231: {  	v8 =	vld [tilespmem:s17+$0x30]  }
0x232: {  	v9 =	vld [tilespmem:s17+$0xFFFFFFD0]  }
0x233: {  	v10 =	vld [tilespmem:s17+$0xFFFFFFE0]  }
0x234: {  	v11 =	vld [tilespmem:s17+$0xFFFFFFF0]  }
0x235: {  	v7 =	vshll.u32 v3, $0xC  }
0x236: {  	v7 =	vor.u32 v7, v5;
	v13 =	vld [tilespmem:s17+$0x0];
	v12 =	vshrl.u32 v8, $0x8  }
0x237: {  	v16 =	vld [tilespmem:s17+$0x20];
	v14 =	vshrl.u32 v9, $0x8;
	vm1 =	veq.s32 v12, v7  }
0x238: {  	v61 =	vld [tilespmem:s17+$0xFFFFFFC0];
	v60 =	vshrl.u32 v10, $0x8;
	v8 =	vand.u32 $0xFF, v8;
	vm2 =	veq.s32 v14, v7  }
0x239: {  	v59 =	vld [tilespmem:s17+$0x10];
	v15 =	vand.u32 $0xFF, v9;
	v9 =	vshrl.u32 v11, $0x8;
	vm3 =	veq.s32 v60, v7  }
0x23a: {  	v10 =	vand.u32 $0xFF, v10;
	vm4 =	veq.s32 v9, v7  }
0x23b: {  	v17 =	vand.u32 $0xFF, v11;
	_ =	sdelay $0x1  }
0x23c: {  	v62 =	vshrl.u32 v16, $0x8;
	v63 =	vshrl.u32 v61, $0x8;
	v9 =	vshrl.u32 v13, $0x8;
	[tilespmem:v8+s12+$0x0] =	vst.idx.add.s32.msk vm1, v1  }
0x23d: {  	v11 =	vand.u32 $0xFF, v61;
	vm0 =	veq.s32 v9, v7;
	v9 =	vshrl.u32 v59, $0x8;
	[tilespmem:v15+s12+$0x0] =	vst.idx.add.s32.msk vm2, v1  }
0x23e: {  	v8 =	vand.u32 $0xFF, v13;
	vm1 =	veq.s32 v9, v7;
	v9 =	vand.u32 $0xFF, v59;
	[tilespmem:v10+s12+$0x0] =	vst.idx.add.s32.msk vm3, v1  }
0x23f: {  	s18 =	simm.s32 $0x100C0;
	s17 =	simm.s32 $0x0;
	vm2 =	veq.s32 v62, v7;
	vm3 =	veq.s32 v63, v7;
	v10 =	vand.u32 $0xFF, v16;
	[tilespmem:v17+s12+$0x0] =	vst.idx.add.s32.msk vm4, v1  }
.LBB2_36:
0x240: {  	v12 =	vld [tilespmem:s18+$0x30];
	s17 =	sadd.s32 $0x8, s17  }
0x241: {  	v13 =	vld [tilespmem:s18+$0xFFFFFFD0];
	p0 =	slt.u32 s17, $0x7F8  }
0x242: {  	v14 =	vld [tilespmem:s18+$0xFFFFFFE0]  }
0x243: {  	v15 =	vld [tilespmem:s18+$0xFFFFFFF0]  }
0x244: {  	v16 =	vld [tilespmem:s18+$0x0]  }
0x245: {  	v17 =	vld [tilespmem:s18+$0x10];
	v18 =	vshrl.u32 v12, $0x8  }
0x246: {  	v19 =	vshrl.u32 v13, $0x8;
	v13 =	vand.u32 $0xFF, v13;
	v20 =	vld [tilespmem:s18+$0x20];
	vm4 =	veq.s32 v18, v7  }
0x247: {  	v12 =	vand.u32 $0xFF, v12;
	v18 =	vld [tilespmem:s18+$0xFFFFFFC0];
	vm5 =	veq.s32 v19, v7;
	v19 =	vshrl.u32 v14, $0x8  }
0x248: {  	v14 =	vand.u32 $0xFF, v14;
	vm6 =	veq.s32 v19, v7;
	v19 =	vshrl.u32 v15, $0x8;
	[tilespmem:v11+s12+$0x0] =	vst.idx.add.s32.msk vm3, v1  }
0x249: {  	v15 =	vand.u32 $0xFF, v15;
	vm7 =	veq.s32 v19, v7;
	v11 =	vshrl.u32 v16, $0x8;
	[tilespmem:v8+s12+$0x0] =	vst.idx.add.s32.msk vm0, v1  }
0x24a: {  	v8 =	vand.u32 $0xFF, v16;
	vm0 =	veq.s32 v11, v7;
	v11 =	vshrl.u32 v17, $0x8;
	[tilespmem:v9+s12+$0x0] =	vst.idx.add.s32.msk vm1, v1  }
.Ltmp17:
0x24b: {  	v9 =	vand.u32 $0xFF, v17;
	vm1 =	veq.s32 v11, v7;
	v16 =	vshrl.u32 v20, $0x8;
	[tilespmem:v10+s12+$0x0] =	vst.idx.add.s32.msk vm2, v1;
	(pc) =	sbr.rel @p0 .LBB2_36-.Ltmp17, $4  }
0x24c: {  	v10 =	vshrl.u32 v18, $0x8;
	v11 =	vand.u32 $0xFF, v18;
	vm2 =	veq.s32 v16, v7;
	[tilespmem:v12+s12+$0x0] =	vst.idx.add.s32.msk vm4, v1  }
0x24d: {  	vm3 =	veq.s32 v10, v7;
	[tilespmem:v13+s12+$0x0] =	vst.idx.add.s32.msk vm5, v1;
	v10 =	vand.u32 $0xFF, v20  }
0x24e: {  	[tilespmem:v14+s12+$0x0] =	vst.idx.add.s32.msk vm6, v1  }
0x24f: {  	s18 =	sadd.s32 $0x80, s18;
	[tilespmem:v15+s12+$0x0] =	vst.idx.add.s32.msk vm7, v1  }
0x250: {  	v6 =	vxor.u32 $0x80000000, v6  }
0x251: {  	(xrf0) =	vmax.scan.msk.u32 $0xffff, v6;
	_ =	sdelay $0x5  }
0x252: {  	v6, _, _ =	vpop (xrf0)  }
0x253: {  	(v2sf) =	vpush v6, $0xF;
	_ =	sdelay $0x2  }
0x254: {  	[tilespmem:v11+s12+$0x0] =	vst.idx.add.s32.msk vm3, v1  }
0x255: {  	[tilespmem:v8+s12+$0x0] =	vst.idx.add.s32.msk vm0, v1  }
0x256: {  	[tilespmem:v9+s12+$0x0] =	vst.idx.add.s32.msk vm1, v1  }
0x257: {  	[tilespmem:v10+s12+$0x0] =	vst.idx.add.s32.msk vm2, v1;
	s17 =	simm.s32 $0x18020  }
0x258: {  	v6 =	vld [tilespmem:s17+$0xFFFFFFE0];
	_ =	sdelay $0x1  }
0x259: {  	v7 =	vld [tilespmem:s17+$0xFFFFFFF0];
	_ =	sdelay $0x1  }
0x25a: {  	v8 =	vld [tilespmem:s17+$0x0]  }
0x25b: {  	(xrf0) =	vadd.scan.msk.s32 $0xffff, v6;
	v6 =	vld [tilespmem:s17+$0x10]  }
0x25c: {  	s30 =	simm.s32 $0x18060  }
0x25d: {  	(xrf0) =	vadd.scan.msk.s32 $0xffff, v7;
	v7 =	vld [tilespmem:s30+$0xFFFFFFE0]  }
0x25e: {  	v9 =	vld [tilespmem:s30+$0xFFFFFFF0];
	s18 =	spop (v2sf)  }
0x25f: {  	(xrf0) =	vadd.scan.msk.s32 $0xffff, v8;
	s18 =	sxor.u32 $0x80000000, s18  }
0x260: {  	(xrf0) =	vadd.scan.msk.s32 $0xffff, v6;
	v8 =	vmov s18  }
0x261: {  	v6 =	vld [tilespmem:s30+$0x0]  }
0x262: {  	v10, _, _ =	vpop (xrf0);
	(xrf0) =	vadd.scan.msk.s32 $0xffff, v7  }
0x263: {  	v13 =	vld [tilespmem:s30+$0x10];
	v7 =	vbroadcast v10, $0xF;
	v4 =	vsub.s32 v4, v8;
	v8, _, _ =	vpop (xrf0);
	(xrf0) =	vadd.scan.msk.s32 $0xffff, v9  }
0x264: {  	s31 =	simm.s32 $0x180A0;
	v4 =	vbroadcast v4, $0x0;
	v9 =	vimm.s32 $0x0  }
0x265: {  	v15 =	vld [tilespmem:s31+$0xFFFFFFE0];
	v11 =	vbroadcast v8, $0xF;
	v12, _, _ =	vpop (xrf0);
	v10 =	vadd.s32 v9, v10;
	v7 =	vadd.s32 v9, v7  }
0x266: {  	(xrf0) =	vadd.scan.msk.s32 $0xffff, v6;
	v14 =	vbroadcast v12, $0xF;
	vm13 =	vlt.s32 v10, v4;
	v6 =	vadd.s32 v7, v8;
	v10 =	vld [tilespmem:s31+$0xFFFFFFF0];
	v16, _, _ =	vpop (xrf0)  }
0x267: {  	v11 =	vadd.s32 v7, v11;
	v7 =	vmpcnt.ones.xlane vm13;
	v17 =	vbroadcast v16, $0xF  }
0x268: {  	v18, _, _ =	vpop (xrf0);
	vm14 =	vlt.s32 v6, v4;
	(xrf0) =	vadd.scan.msk.s32 $0xffff, v13;
	v14 =	vadd.s32 v11, v14;
	v6 =	vadd.s32 v11, v12  }
0x269: {  	v11 =	vbroadcast v18, $0xF;
	v8 =	vadd.s32 v9, v7;
	vm15 =	vlt.s32 v6, v4;
	v9 =	vld [tilespmem:s31+$0x0];
	v12, _, _ =	vpop (xrf0)  }
0x26a: {  	(xrf0) =	vadd.scan.msk.s32 $0xffff, v15;
	v6 =	vadd.s32 v14, v17;
	v14 =	vadd.s32 v14, v16;
	v19 =	vbroadcast v12, $0xF  }
0x26b: {  	v7 =	vmpcnt.ones.xlane vm15;
	v13 =	vadd.s32 v6, v18;
	v15 =	vadd.s32 v6, v11;
	v6 =	vld [tilespmem:s31+$0x10];
	(xrf0) =	vadd.scan.msk.s32 $0xffff, v10  }
0x26c: {  	s17 =	simm.s32 $0x8;
	s18 =	simm.s32 $0x180E0;
	v11 =	vadd.s32 v15, v12;
	v12, _, _ =	vpop (xrf0);
	v10 =	vadd.s32 v15, v19;
	v15 =	vmpcnt.ones.xlane vm14  }
.LBB2_38:
0x26d: {  	v16 =	vld [tilespmem:s18+$0xFFFFFFE0];
	s17 =	sadd.s32 $0x4, s17;
	vm0 =	vlt.s32 v13, v4;
	v13 =	vbroadcast v12, $0xF;
	vm1 =	vlt.s32 v14, v4  }
0x26e: {  	v14 =	vld [tilespmem:s18+$0xFFFFFFF0];
	p0 =	slt.u32 s17, $0xC;
	(xrf0) =	vadd.scan.msk.s32 $0xffff, v9;
	v17 =	vmpcnt.ones.xlane vm0;
	v18, _, _ =	vpop (xrf0);
	v8 =	vadd.s32 v15, v8;
	v9 =	vmpcnt.ones.xlane vm1  }
0x26f: {  	v15 =	vadd.s32 v10, v13;
	v13 =	vbroadcast v18, $0xF;
	v7 =	vadd.s32 v7, v8  }
.Ltmp18:
0x270: {  	vm0 =	vlt.s32 v11, v4;
	v19, _, _ =	vpop (xrf0);
	(xrf0) =	vadd.scan.msk.s32 $0xffff, v6;
	v6 =	vadd.s32 v10, v12;
	v7 =	vadd.s32 v9, v7;
	(pc) =	sbr.rel @p0 .LBB2_38-.Ltmp18, $4  }
0x271: {  	v9 =	vld [tilespmem:s18+$0x0];
	v10 =	vbroadcast v19, $0xF;
	v11, _, _ =	vpop (xrf0);
	v8 =	vadd.s32 v7, v17;
	vm1 =	vlt.s32 v6, v4  }
0x272: {  	(xrf0) =	vadd.scan.msk.s32 $0xffff, v16;
	v17 =	vbroadcast v11, $0xF;
	v7 =	vmpcnt.ones.xlane vm1;
	v16 =	vadd.s32 v15, v13  }
0x273: {  	v6 =	vld [tilespmem:s18+$0x10];
	(xrf0) =	vadd.scan.msk.s32 $0xffff, v14;
	v13 =	vadd.s32 v16, v19;
	v10 =	vadd.s32 v16, v10;
	v14 =	vadd.s32 v15, v18  }
0x274: {  	s18 =	sadd.s32 $0x40, s18;
	v15 =	vmpcnt.ones.xlane vm0;
	v11 =	vadd.s32 v10, v11;
	v10 =	vadd.s32 v10, v17;
	v12, _, _ =	vpop (xrf0)  }
0x275: {  	v16 =	vbroadcast v12, $0xF;
	vm0 =	vlt.s32 v14, v4  }
0x276: {  	vm1 =	vlt.s32 v13, v4;
	(xrf0) =	vadd.scan.msk.s32 $0xffff, v9;
	v8 =	vadd.s32 v15, v8;
	v9 =	vmpcnt.ones.xlane vm0  }
0x277: {  	v13 =	vmpcnt.ones.xlane vm1;
	v58, _, _ =	vpop (xrf0);
	vm0 =	vlt.s32 v11, v4;
	v59 =	vadd.s32 v10, v16  }
0x278: {  	v7 =	vadd.s32 v7, v8;
	v8 =	vbroadcast v58, $0xF;
	v63 =	vmpcnt.ones.xlane vm0;
	v60, _, _ =	vpop (xrf0)  }
0x279: {  	v7 =	vadd.s32 v9, v7;
	v9 =	vadd.s32 v10, v12;
	v10 =	vbroadcast v60, $0xF  }
0x27a: {  	(xrf0) =	vadd.scan.msk.s32 $0xffff, v6;
	v11, _, _ =	vpop (xrf0);
	v7 =	vadd.s32 v7, v13;
	vm1 =	vlt.s32 v9, v4;
	v8 =	vadd.s32 v59, v8  }
0x27b: {  	v6 =	vbroadcast v11, $0xF;
	v9 =	vmpcnt.ones.xlane vm1;
	v61 =	vadd.s32 v8, v60  }
0x27c: {  	v7 =	vadd.s32 v63, v7;
	v8 =	vadd.s32 v8, v10;
	v10 =	vadd.s32 v59, v58  }
0x27d: {  	vm1 =	vlt.s32 v61, v4;
	v11 =	vadd.s32 v8, v11;
	v62, _, _ =	vpop (xrf0);
	vm0 =	vlt.s32 v10, v4  }
0x27e: {  	v6 =	vadd.s32 v8, v6;
	v8 =	vbroadcast v62, $0xF;
	v10 =	vmpcnt.ones.xlane vm0  }
0x27f: {  	v12 =	vmpcnt.ones.xlane vm1;
	v7 =	vadd.s32 v9, v7;
	vm0 =	vlt.s32 v11, v4  }
0x280: {  	v9, _, _ =	vpop (xrf0);
	v8 =	vadd.s32 v6, v8;
	v6 =	vadd.s32 v6, v62;
	v7 =	vadd.s32 v10, v7  }
0x281: {  	vm1 =	vlt.s32 v6, v4;
	v6 =	vadd.s32 v8, v9;
	v8 =	vmpcnt.ones.xlane vm0  }
0x282: {  	v7 =	vadd.s32 v7, v12;
	v9 =	vmpcnt.ones.xlane vm1;
	vm0 =	vlt.s32 v6, v4  }
0x283: {  	v4 =	vadd.s32 v8, v7;
	v6 =	vmpcnt.ones.xlane vm0  }
0x284: {  	v3 =	vshll.u32 v3, $0x14;
	v5 =	vshll.u32 v5, $0x8;
	s17 =	simm.s32 $0x8040;
	v4 =	vadd.s32 v9, v4  }
0x285: {  	v3 =	vor.u32 v3, v5;
	v7 =	vld [tilespmem:s17+$0x30];
	v4 =	vadd.s32 v6, v4  }
0x286: {  	v10 =	vld [tilespmem:s17+$0xFFFFFFD0];
	v3 =	vor.u32 v4, v3  }
0x287: {  	v9 =	vld [tilespmem:s17+$0xFFFFFFE0];
	vm0 =	vgt.s32 v3, $0xFFFFFFFF  }
0x288: {  	v8 =	vld [tilespmem:s17+$0xFFFFFFF0];
	v4 =	vsel vm0, $0xFFFFFFFF, v2  }
0x289: {  	v6 =	vld [tilespmem:s17+$0x0];
	v3 =	vxor.u32 v3, v4  }
0x28a: {  	v5 =	vld [tilespmem:s17+$0x10];
	vm0 =	vgt.f32 v7, v3  }
0x28b: {  	v4 =	vld [tilespmem:s17+$0x20];
	vm1 =	vgt.f32 v10, v3;
	v11 =	vnsel vm0, $0x0, v7  }
0x28c: {  	s18 =	simm.s32 $0x0;
	s19 =	simm.s32 $0x80C0;
	v7 =	vld [tilespmem:s17+$0xFFFFFFC0];
	v10 =	vnsel vm1, $0x0, v10;
	vm0 =	vgt.f32 v9, v3;
	[tilespmem:s17+$0x30] =	vst v11  }
.LBB2_40:
0x28d: {  	v11 =	vld [tilespmem:s19+$0x30];
	s18 =	sadd.s32 $0x8, s18;
	[tilespmem:s17+$0xFFFFFFD0] =	vst v10;
	v9 =	vnsel vm0, $0x0, v9;
	vm0 =	vgt.f32 v8, v3  }
0x28e: {  	v10 =	vld [tilespmem:s19+$0xFFFFFFD0];
	p0 =	slt.u32 s18, $0x7F8;
	[tilespmem:s17+$0xFFFFFFE0] =	vst v9;
	v8 =	vnsel vm0, $0x0, v8;
	vm0 =	vgt.f32 v6, v3  }
0x28f: {  	v9 =	vld [tilespmem:s19+$0xFFFFFFE0];
	[tilespmem:s17+$0xFFFFFFF0] =	vst v8;
	v6 =	vnsel vm0, $0x0, v6;
	vm0 =	vgt.f32 v5, v3  }
.Ltmp19:
0x290: {  	v8 =	vld [tilespmem:s19+$0xFFFFFFF0];
	[tilespmem:s17+$0x0] =	vst v6;
	v5 =	vnsel vm0, $0x0, v5;
	vm0 =	vgt.f32 v4, v3;
	(pc) =	sbr.rel @p0 .LBB2_40-.Ltmp19, $4  }
0x291: {  	v6 =	vld [tilespmem:s19+$0x0];
	vm1 =	vgt.f32 v7, v3;
	[tilespmem:s17+$0x10] =	vst v5;
	v4 =	vnsel vm0, $0x0, v4  }
0x292: {  	v5 =	vld [tilespmem:s19+$0x10];
	vm0 =	vgt.f32 v11, v3;
	v7 =	vnsel vm1, $0x0, v7;
	[tilespmem:s17+$0x20] =	vst v4  }
0x293: {  	vm1 =	vgt.f32 v10, v3;
	v4 =	vld [tilespmem:s19+$0x20];
	v11 =	vnsel vm0, $0x0, v11;
	[tilespmem:s17+$0xFFFFFFC0] =	vst v7;
	s17 =	smov.u32 s19  }
0x294: {  	s19 =	sadd.s32 $0x80, s19;
	v7 =	vld [tilespmem:s17+$0xFFFFFFC0];
	v10 =	vnsel vm1, $0x0, v10;
	vm0 =	vgt.f32 v9, v3;
	[tilespmem:s17+$0x30] =	vst v11  }
0x295: {  	[tilespmem:s17+$0xFFFFFFD0] =	vst v10;
	v9 =	vnsel vm0, $0x0, v9;
	vm12 =	vgt.f32 v8, v3  }
0x296: {  	[tilespmem:s17+$0xFFFFFFE0] =	vst v9;
	v8 =	vnsel vm12, $0x0, v8;
	vm13 =	vgt.f32 v6, v3  }
0x297: {  	[tilespmem:s17+$0xFFFFFFF0] =	vst v8;
	v6 =	vnsel vm13, $0x0, v6;
	vm14 =	vgt.f32 v5, v3  }
0x298: {  	[tilespmem:s17+$0x0] =	vst v6;
	v5 =	vnsel vm14, $0x0, v5;
	vm15 =	vgt.f32 v4, v3  }
0x299: {  	vm1 =	vgt.f32 v7, v3;
	[tilespmem:s17+$0x10] =	vst v5;
	v3 =	vnsel vm15, $0x0, v4  }
0x29a: {  	v63 =	vnsel vm1, $0x0, v7;
	[tilespmem:s17+$0x20] =	vst v3  }
0x29b: {  	s16 =	sadd.s32 $0x1, s16;
	[tilespmem:s17+$0xFFFFFFC0] =	vst v63  }
0x29c: {  	[hbm4b:s6+s8] =	stream.strided.scatter [tilespmem:s10], [sflag:$0x4], $0x8000, s9, s8, $0x38;
	[tilespmem:$0x19000] =	vst v63  }
0x29d: {  	p0 =	sne.s32 s16, s7;
	_ =	swait.ge [sflag:s14], $0x8000  }
.Ltmp20:
0x29e: {  	[sflag:s14] =	ssyncset.done $0x0;
	(pc) =	sbr.rel @p0 .LBB2_1-.Ltmp20, $4  }
0x29f: {  	[sflag:s14] =	ssyncadd.s32 $0xFFFF8000  }
0x2a0: {  	_ =	swait.ge [sflag:s15], $0x8000  }
0x2a1: {  	[sflag:s15] =	ssyncset.done $0x0  }
0x2a2: {  	[sflag:s15] =	ssyncadd.s32 $0xFFFF8000  }
0x2a3: {  	_ =	sfence.sel $0x180000  }
0x2a4: {  	[bflag:$0x0] =	sbarrier.arrive $0xFFFF  }
0x2a5: {  	p0 =	sne.s32 s1, $0x0;
	_ =	strace $0x90000047  }
0x2a6: {  	s0 =	sadd.s32 @!p0 $0x100000, s0;
	[bflag:$0x2] =	sbarrier.arrive $0xFFFF  }
0x2a7: {  	[sflag:s0] =	ssyncadd.tile.s32 @!p0 $0x1;
	_ =	shalt  }
.Lfunc_end2:
_tile_overlayer_lowered:
.L_overlay_start_2:
0x2a8: {  	(tag) =	ssettag $0x2  }
0x2a9: {  	s0 =	rddreg [dreg:$0x0];
	s2 =	stileid.u32  }
0x2aa: {  	s1 =	rddreg [dreg:$0x1];
	p0 =	sne.s32 s2, $0x0  }
0x2ab: {  	s3 =	rddreg [dreg:$0x2];
	[bflag:$0x3] =	sbarrier.arrive $0xFFFF;
	s2 =	simm.s32 @!p0 $0x1C05  }
0x2ac: {  	[timem:s3], [sflag:s2] =	dma.local @!p0 [hbm:s0], s1  }
0x2ad: {  	s0 =	simm.s32 @!p0 $0x5  }
0x2ae: {  	_ =	swait.ge @!p0 [sflag:s0], s1  }
0x2af: {  	s1 =	ssub.s32 @!p0 $0x0, s1;
	[sflag:s0] =	ssyncset.done @!p0 $0x0  }
0x2b0: {  	[sflag:s0] =	ssyncadd.s32 @!p0 s1  }
0x2b1: {  	[bflag:$0x3] =	sbarrier.arrive $0xFFFF  }
0x2b2: {  	_ =	shalt  }

</sc_bundles>
